<compile_context>
chip_gen: v7x
topology: tpu7x:2x2x1
jax: 0.10.2.dev20260603
libtpu: 0.0.44.dev20260713+nightly
codegen_flags: <defaults>
</compile_context>

<pallas_src>
import functools

import jax
import jax.numpy as jnp
from jax import lax
from jax.experimental import pallas as pl
from jax.experimental.pallas import tpu as pltpu
from jax.experimental.pallas import tpu_sc as plsc

NC = 2
NS = 16
NW = NC * NS
BATCH = 16384
BPW = BATCH // NW
NROW = 100000
CW = NROW // 8


@jax.jit
def _sc_gather_concat(intr, rot, trans, idx):
    intr8 = intr.T.reshape(4 * NROW // 8, 8)
    rot8 = rot.T.reshape(3 * NROW // 8, 8)
    trans8 = trans.T.reshape(3 * NROW // 8, 8)
    mesh = plsc.VectorSubcoreMesh(core_axis_name="c", subcore_axis_name="s")

    @functools.partial(
        pl.kernel,
        mesh=mesh,
        out_type=jax.ShapeDtypeStruct((10, BATCH), jnp.float32),
        compiler_params=pltpu.CompilerParams(
            use_tc_tiling_on_sc=False, needs_layout_passes=False,
            disable_bounds_checks=True, disable_semaphore_checks=True),
        scratch_types=[
            pltpu.VMEM((BPW,), jnp.int32),
            pltpu.VMEM((BPW,), jnp.int32),
            pltpu.VMEM((BPW,), jnp.int32),
            pltpu.VMEM((10 * BPW, 8), jnp.float32),
            pltpu.VMEM((10, BPW), jnp.float32),
            pltpu.SemaphoreType.DMA((10,)),
            pltpu.SemaphoreType.DMA,
        ],
    )
    def k(intr_hbm, rot_hbm, trans_hbm, idx_hbm, out_hbm,
          idx_v, gl, ofs, vbuf, out_v, sems, osem):
        wid = lax.axis_index("s") * NC + lax.axis_index("c")
        base = wid * BPW
        pltpu.sync_copy(idx_hbm.at[pl.ds(base, BPW)], idx_v)

        iota = lax.iota(jnp.int32, 16)

        def prep(ch, carry):
            iv = idx_v[pl.ds(ch * 16, 16)]
            gl[pl.ds(ch * 16, 16)] = lax.shift_right_logical(iv, 3)
            ofs[pl.ds(ch * 16, 16)] = iv & 7
            return carry

        lax.fori_loop(0, BPW // 16, prep, 0)

        sources = ([intr_hbm.at[pl.ds(c * CW, CW), :] for c in range(4)]
                   + [rot_hbm.at[pl.ds(c * CW, CW), :] for c in range(3)]
                   + [trans_hbm.at[pl.ds(c * CW, CW), :] for c in range(3)])
        copies = []
        for q, src in enumerate(sources):
            copies.append(pltpu.async_copy(
                src.at[gl], vbuf.at[pl.ds(q * BPW, BPW), :], sems.at[q]))

        out_copies = []
        for q in range(10):
            copies[q].wait()

            def body(chunk, carry, q=q):
                rows = chunk * 16 + iota
                off = ofs[pl.ds(chunk * 16, 16)]
                vals = plsc.load_gather(vbuf, [q * BPW + rows, off])
                plsc.store_scatter(out_v, [jnp.full((16,), q, jnp.int32), rows],
                                   vals)
                return carry

            lax.fori_loop(0, BPW // 16, body, 0)
            out_copies.append(pltpu.async_copy(
                out_v.at[q], out_hbm.at[q, pl.ds(base, BPW)], osem))
        for cpy in out_copies:
            cpy.wait()

    return k(intr8, rot8, trans8, idx).T


def kernel(intrinsic_deltas, rotation_deltas, translation_deltas, camera_idx):
    return _sc_gather_concat(intrinsic_deltas, rotation_deltas,
                             translation_deltas,
                             camera_idx.astype(jnp.int32))

# --- scband reference (transcript-rebuilt; emitter-appended) ---
"""Pipeline reference for scband-adjustments-74878459838844 (READ-ONLY COPY).

The authoritative reference and input builder live on the scoring server;
editing this copy changes nothing except your own understanding.
"""

import jax, jax.numpy as jnp
import numpy as np

NUM_CAMERAS = 100000
BATCH = 16384

def setup_inputs(seed: int = 0) -> dict:
    key = jax.random.key(seed)
    k_idx, = jax.random.split(key, 1)
    camera_idx = jax.random.randint(k_idx, (BATCH,), 0, NUM_CAMERAS, dtype=jnp.int64) if jax.config.jax_enable_x64 else jax.random.randint(k_idx, (BATCH,), 0, NUM_CAMERAS, dtype=jnp.int32)
    # Learned parameters: module initializes all deltas to zeros (torch.double in the
    # original; float32 here since jax defaults to f32).
    intrinsic_deltas = jnp.zeros((NUM_CAMERAS, 4), dtype=jnp.float32)
    rotation_deltas = jnp.zeros((NUM_CAMERAS, 3), dtype=jnp.float32)
    translation_deltas = jnp.zeros((NUM_CAMERAS, 3), dtype=jnp.float32)
    return {
        "intrinsic_deltas": intrinsic_deltas,
        "rotation_deltas": rotation_deltas,
        "translation_deltas": translation_deltas,
        "camera_idx": camera_idx,
    }

def reference(intrinsic_deltas, rotation_deltas, translation_deltas, camera_idx):
    # Equivalent of get_intrinsic_adjustments + get_extrinsic_adjustments, batched:
    # row-gather (embedding lookup) from each learned delta table.
    intr = jnp.take(intrinsic_deltas, camera_idx, axis=0)      # [B, 4]
    rot = jnp.take(rotation_deltas, camera_idx, axis=0)        # [B, 3]
    trans = jnp.take(translation_deltas, camera_idx, axis=0)   # [B, 3]
    # Concatenate per-camera adjustment vectors into a single [B, 10] output.
    return jnp.concatenate([intr, rot, trans], axis=-1)

if __name__ == "__main__":
    import jax
    _d = setup_inputs()
    print(jax.jit(kernel)(*tuple(_d.values())))

</pallas_src>

<mosaic_0001>
#map = affine_map<(d0, d1) -> (0, 0)>
#map1 = affine_map<(d0, d1) -> (0)>
module attributes {stable_mosaic.version = 14 : i64} {
  func.func @k(%arg0: i32, %arg1: i32, %arg2: memref<50000x8xf32, #tpu.memory_space<hbm>>, %arg3: memref<37500x8xf32, #tpu.memory_space<hbm>>, %arg4: memref<37500x8xf32, #tpu.memory_space<hbm>>, %arg5: memref<16384xi32, #tpu.memory_space<hbm>>, %arg6: memref<10x16384xf32, #tpu.memory_space<hbm>>, %arg7: memref<512xi32, #tpu.memory_space<vmem>>, %arg8: memref<512xi32, #tpu.memory_space<vmem>>, %arg9: memref<512xi32, #tpu.memory_space<vmem>>, %arg10: memref<5120x8xf32, #tpu.memory_space<vmem>>, %arg11: memref<10x512xf32, #tpu.memory_space<vmem>>, %arg12: memref<10x!tpu.dma_semaphore, #tpu.memory_space<semaphore_mem>>, %arg13: memref<!tpu.dma_semaphore, #tpu.memory_space<semaphore_mem>>) attributes {dimension_semantics = [#tpu.dimension_semantics<core_parallel>, #tpu.dimension_semantics<subcore_parallel>], iteration_bounds = array<i64: 2, 16>, scalar_prefetch = 0 : i64, scratch_operands = 7 : i64, tpu.core_type = #tpu.core_type<sc_vector_subcore>, window_params = [{transform_indices = #map}, {transform_indices = #map}, {transform_indices = #map}, {transform_indices = #map1}, {transform_indices = #map}]} {
    %mul3A = arith.constant 2 : i32
    %mul3A_0 = arith.muli %arg1, %mul3A : i32
    %add3A = arith.addi %mul3A_0, %arg0 : i32
    %mul3A_1 = arith.constant 512 : i32
    %mul3A_2 = arith.muli %add3A, %mul3A_1 : i32
    "tpu.region"() ({
      %run_scoped3A = tpu.sem_alloc : memref<!tpu.dma_semaphore, #tpu.memory_space<semaphore_mem>>
      %dma_start3A_546 = tpu.memref_slice %arg5[%mul3A_2] : memref<16384xi32, #tpu.memory_space<hbm>> -> memref<512xi32, #tpu.memory_space<hbm>>
      %dma_start3A_547 = tpu.memref_slice %arg5[%mul3A_2] : memref<16384xi32, #tpu.memory_space<hbm>> -> memref<512xi32, #tpu.memory_space<hbm>>
      tpu.enqueue_dma source(%dma_start3A_547 : memref<512xi32, #tpu.memory_space<hbm>>) target(%arg7 : memref<512xi32, #tpu.memory_space<vmem>>) target_semaphore(%run_scoped3A : memref<!tpu.dma_semaphore, #tpu.memory_space<semaphore_mem>>)
      %dma_wait3A_548 = tpu.memref_slice %arg5[%mul3A_2] : memref<16384xi32, #tpu.memory_space<hbm>> -> memref<512xi32, #tpu.memory_space<hbm>>
      %dma_wait3A_549 = tpu.memref_slice %arg5[%mul3A_2] : memref<16384xi32, #tpu.memory_space<hbm>> -> memref<512xi32, #tpu.memory_space<hbm>>
      tpu.wait_dma2 semaphore(%run_scoped3A : memref<!tpu.dma_semaphore, #tpu.memory_space<semaphore_mem>>) src(%dma_wait3A_549 : memref<512xi32, #tpu.memory_space<hbm>>) dst(%arg7 : memref<512xi32, #tpu.memory_space<vmem>>)
      tpu.yield
    }) : () -> ()
    %iota3A = tpu.iota {dimensions = array<i32: 0>} : vector<16xi32>
    %scan3A = arith.constant 0 : i32
    %scan3A_3 = arith.constant 0 : i32
    %scan3A_4 = arith.constant 32 : i32
    %scan3A_5 = arith.addi %scan3A_3, %scan3A_4 : i32
    %scan3A_6 = arith.constant 1 : i32
    scf.for %scan3A_546 = %scan3A_3 to %scan3A_5 step %scan3A_6  : i32 {
      %mul3A_547 = arith.constant 16 : i32
      %mul3A_548 = arith.muli %scan3A_546, %mul3A_547 : i32
      %get3A = arith.index_cast %mul3A_548 : i32 to index
      %get3A_549 = tpu.vector_load %arg7[%get3A] {strides = array<i32>} : memref<512xi32, #tpu.memory_space<vmem>>, vector<16xi32>,
      %shift_right_logical3A = arith.constant 3 : i32
      %shift_right_logical3A_550 = vector.broadcast %shift_right_logical3A : i32 to vector<16xi32>
      %shift_right_logical3A_551 = arith.shrui %get3A_549, %shift_right_logical3A_550 : vector<16xi32>
      %mul3A_552 = arith.constant 16 : i32
      %mul3A_553 = arith.muli %scan3A_546, %mul3A_552 : i32
      %swap3A = arith.index_cast %mul3A_553 : i32 to index
      %swap3A_554 = tpu.vector_load %arg8[%swap3A] {strides = array<i32>} : memref<512xi32, #tpu.memory_space<vmem>>, vector<16xi32>,
      tpu.vector_store %arg8[%swap3A], %shift_right_logical3A_551 {strides = array<i32>} : memref<512xi32, #tpu.memory_space<vmem>>, vector<16xi32>,
      %and3A = arith.constant 7 : i32
      %and3A_555 = vector.broadcast %and3A : i32 to vector<16xi32>
      %and3A_556 = arith.andi %get3A_549, %and3A_555 : vector<16xi32>
      %mul3A_557 = arith.constant 16 : i32
      %mul3A_558 = arith.muli %scan3A_546, %mul3A_557 : i32
      %swap3A_559 = arith.index_cast %mul3A_558 : i32 to index
      %swap3A_560 = tpu.vector_load %arg9[%swap3A_559] {strides = array<i32>} : memref<512xi32, #tpu.memory_space<vmem>>, vector<16xi32>,
      tpu.vector_store %arg9[%swap3A_559], %and3A_556 {strides = array<i32>} : memref<512xi32, #tpu.memory_space<vmem>>, vector<16xi32>,
    }
    %scan3A_7 = arith.constant 32 : i32
    %dma_start3A = arith.constant 0 : i32
    %dma_start3A_8 = arith.constant 0 : i32
    %dma_start3A_9 = arith.constant 0 : i32
    %dma_start3A_10 = tpu.memref_slice %arg10[%dma_start3A_8, %dma_start3A_9] : memref<5120x8xf32, #tpu.memory_space<vmem>> -> memref<512x8xf32, #tpu.memory_space<vmem>>
    %dma_start3A_11 = arith.constant 0 : i32
    %dma_start3A_12 = arith.constant 0 : i32
    %dma_start3A_13 = tpu.memref_slice %arg2[%dma_start3A_11, %dma_start3A_12] : memref<50000x8xf32, #tpu.memory_space<hbm>> -> memref<12500x8xf32, #tpu.memory_space<hbm>>
    %dma_start3A_14 = arith.constant 0 : i32
    %dma_start3A_15 = arith.constant 0 : i32
    %dma_start3A_16 = tpu.memref_slice %dma_start3A_13[%dma_start3A_14, %dma_start3A_15] : memref<12500x8xf32, #tpu.memory_space<hbm>> -> memref<12500x8xf32, #tpu.memory_space<hbm>>
    %dma_start3A_17 = tpu.memref_slice %arg12[%dma_start3A] : memref<10x!tpu.dma_semaphore, #tpu.memory_space<semaphore_mem>> -> memref<1x!tpu.dma_semaphore, #tpu.memory_space<semaphore_mem>>
    %dma_start3A_18 = tpu.memref_squeeze %dma_start3A_17 : memref<1x!tpu.dma_semaphore, #tpu.memory_space<semaphore_mem>> -> memref<!tpu.dma_semaphore, #tpu.memory_space<semaphore_mem>>
    tpu.enqueue_indirect_dma source(%dma_start3A_16 : memref<12500x8xf32, #tpu.memory_space<hbm>>) target(%dma_start3A_10 : memref<512x8xf32, #tpu.memory_space<vmem>>) offsets(%arg8 : memref<512xi32, #tpu.memory_space<vmem>>) semaphore(%dma_start3A_18 : memref<!tpu.dma_semaphore, #tpu.memory_space<semaphore_mem>>)
    %dma_start3A_19 = arith.constant 1 : i32
    %dma_start3A_20 = arith.constant 512 : i32
    %dma_start3A_21 = arith.constant 0 : i32
    %dma_start3A_22 = tpu.memref_slice %arg10[%dma_start3A_20, %dma_start3A_21] : memref<5120x8xf32, #tpu.memory_space<vmem>> -> memref<512x8xf32, #tpu.memory_space<vmem>>
    %dma_start3A_23 = arith.constant 12500 : i32
    %dma_start3A_24 = arith.constant 0 : i32
    %dma_start3A_25 = tpu.memref_slice %arg2[%dma_start3A_23, %dma_start3A_24] : memref<50000x8xf32, #tpu.memory_space<hbm>> -> memref<12500x8xf32, #tpu.memory_space<hbm>>
    %dma_start3A_26 = arith.constant 0 : i32
    %dma_start3A_27 = arith.constant 0 : i32
    %dma_start3A_28 = tpu.memref_slice %dma_start3A_25[%dma_start3A_26, %dma_start3A_27] : memref<12500x8xf32, #tpu.memory_space<hbm>> -> memref<12500x8xf32, #tpu.memory_space<hbm>>
    %dma_start3A_29 = tpu.memref_slice %arg12[%dma_start3A_19] : memref<10x!tpu.dma_semaphore, #tpu.memory_space<semaphore_mem>> -> memref<1x!tpu.dma_semaphore, #tpu.memory_space<semaphore_mem>>
    %dma_start3A_30 = tpu.memref_squeeze %dma_start3A_29 : memref<1x!tpu.dma_semaphore, #tpu.memory_space<semaphore_mem>> -> memref<!tpu.dma_semaphore, #tpu.memory_space<semaphore_mem>>
    tpu.enqueue_indirect_dma source(%dma_start3A_28 : memref<12500x8xf32, #tpu.memory_space<hbm>>) target(%dma_start3A_22 : memref<512x8xf32, #tpu.memory_space<vmem>>) offsets(%arg8 : memref<512xi32, #tpu.memory_space<vmem>>) semaphore(%dma_start3A_30 : memref<!tpu.dma_semaphore, #tpu.memory_space<semaphore_mem>>)
    %dma_start3A_31 = arith.constant 2 : i32
    %dma_start3A_32 = arith.constant 1024 : i32
    %dma_start3A_33 = arith.constant 0 : i32
    %dma_start3A_34 = tpu.memref_slice %arg10[%dma_start3A_32, %dma_start3A_33] : memref<5120x8xf32, #tpu.memory_space<vmem>> -> memref<512x8xf32, #tpu.memory_space<vmem>>
    %dma_start3A_35 = arith.constant 25000 : i32
    %dma_start3A_36 = arith.constant 0 : i32
    %dma_start3A_37 = tpu.memref_slice %arg2[%dma_start3A_35, %dma_start3A_36] : memref<50000x8xf32, #tpu.memory_space<hbm>> -> memref<12500x8xf32, #tpu.memory_space<hbm>>
    %dma_start3A_38 = arith.constant 0 : i32
    %dma_start3A_39 = arith.constant 0 : i32
    %dma_start3A_40 = tpu.memref_slice %dma_start3A_37[%dma_start3A_38, %dma_start3A_39] : memref<12500x8xf32, #tpu.memory_space<hbm>> -> memref<12500x8xf32, #tpu.memory_space<hbm>>
    %dma_start3A_41 = tpu.memref_slice %arg12[%dma_start3A_31] : memref<10x!tpu.dma_semaphore, #tpu.memory_space<semaphore_mem>> -> memref<1x!tpu.dma_semaphore, #tpu.memory_space<semaphore_mem>>
    %dma_start3A_42 = tpu.memref_squeeze %dma_start3A_41 : memref<1x!tpu.dma_semaphore, #tpu.memory_space<semaphore_mem>> -> memref<!tpu.dma_semaphore, #tpu.memory_space<semaphore_mem>>
    tpu.enqueue_indirect_dma source(%dma_start3A_40 : memref<12500x8xf32, #tpu.memory_space<hbm>>) target(%dma_start3A_34 : memref<512x8xf32, #tpu.memory_space<vmem>>) offsets(%arg8 : memref<512xi32, #tpu.memory_space<vmem>>) semaphore(%dma_start3A_42 : memref<!tpu.dma_semaphore, #tpu.memory_space<semaphore_mem>>)
    %dma_start3A_43 = arith.constant 3 : i32
    %dma_start3A_44 = arith.constant 1536 : i32
    %dma_start3A_45 = arith.constant 0 : i32
    %dma_start3A_46 = tpu.memref_slice %arg10[%dma_start3A_44, %dma_start3A_45] : memref<5120x8xf32, #tpu.memory_space<vmem>> -> memref<512x8xf32, #tpu.memory_space<vmem>>
    %dma_start3A_47 = arith.constant 37500 : i32
    %dma_start3A_48 = arith.constant 0 : i32
    %dma_start3A_49 = tpu.memref_slice %arg2[%dma_start3A_47, %dma_start3A_48] : memref<50000x8xf32, #tpu.memory_space<hbm>> -> memref<12500x8xf32, #tpu.memory_space<hbm>>
    %dma_start3A_50 = arith.constant 0 : i32
    %dma_start3A_51 = arith.constant 0 : i32
    %dma_start3A_52 = tpu.memref_slice %dma_start3A_49[%dma_start3A_50, %dma_start3A_51] : memref<12500x8xf32, #tpu.memory_space<hbm>> -> memref<12500x8xf32, #tpu.memory_space<hbm>>
    %dma_start3A_53 = tpu.memref_slice %arg12[%dma_start3A_43] : memref<10x!tpu.dma_semaphore, #tpu.memory_space<semaphore_mem>> -> memref<1x!tpu.dma_semaphore, #tpu.memory_space<semaphore_mem>>
    %dma_start3A_54 = tpu.memref_squeeze %dma_start3A_53 : memref<1x!tpu.dma_semaphore, #tpu.memory_space<semaphore_mem>> -> memref<!tpu.dma_semaphore, #tpu.memory_space<semaphore_mem>>
    tpu.enqueue_indirect_dma source(%dma_start3A_52 : memref<12500x8xf32, #tpu.memory_space<hbm>>) target(%dma_start3A_46 : memref<512x8xf32, #tpu.memory_space<vmem>>) offsets(%arg8 : memref<512xi32, #tpu.memory_space<vmem>>) semaphore(%dma_start3A_54 : memref<!tpu.dma_semaphore, #tpu.memory_space<semaphore_mem>>)
    %dma_start3A_55 = arith.constant 4 : i32
    %dma_start3A_56 = arith.constant 2048 : i32
    %dma_start3A_57 = arith.constant 0 : i32
    %dma_start3A_58 = tpu.memref_slice %arg10[%dma_start3A_56, %dma_start3A_57] : memref<5120x8xf32, #tpu.memory_space<vmem>> -> memref<512x8xf32, #tpu.memory_space<vmem>>
    %dma_start3A_59 = arith.constant 0 : i32
    %dma_start3A_60 = arith.constant 0 : i32
    %dma_start3A_61 = tpu.memref_slice %arg3[%dma_start3A_59, %dma_start3A_60] : memref<37500x8xf32, #tpu.memory_space<hbm>> -> memref<12500x8xf32, #tpu.memory_space<hbm>>
    %dma_start3A_62 = arith.constant 0 : i32
    %dma_start3A_63 = arith.constant 0 : i32
    %dma_start3A_64 = tpu.memref_slice %dma_start3A_61[%dma_start3A_62, %dma_start3A_63] : memref<12500x8xf32, #tpu.memory_space<hbm>> -> memref<12500x8xf32, #tpu.memory_space<hbm>>
    %dma_start3A_65 = tpu.memref_slice %arg12[%dma_start3A_55] : memref<10x!tpu.dma_semaphore, #tpu.memory_space<semaphore_mem>> -> memref<1x!tpu.dma_semaphore, #tpu.memory_space<semaphore_mem>>
    %dma_start3A_66 = tpu.memref_squeeze %dma_start3A_65 : memref<1x!tpu.dma_semaphore, #tpu.memory_space<semaphore_mem>> -> memref<!tpu.dma_semaphore, #tpu.memory_space<semaphore_mem>>
    tpu.enqueue_indirect_dma source(%dma_start3A_64 : memref<12500x8xf32, #tpu.memory_space<hbm>>) target(%dma_start3A_58 : memref<512x8xf32, #tpu.memory_space<vmem>>) offsets(%arg8 : memref<512xi32, #tpu.memory_space<vmem>>) semaphore(%dma_start3A_66 : memref<!tpu.dma_semaphore, #tpu.memory_space<semaphore_mem>>)
    %dma_start3A_67 = arith.constant 5 : i32
    %dma_start3A_68 = arith.constant 2560 : i32
    %dma_start3A_69 = arith.constant 0 : i32
    %dma_start3A_70 = tpu.memref_slice %arg10[%dma_start3A_68, %dma_start3A_69] : memref<5120x8xf32, #tpu.memory_space<vmem>> -> memref<512x8xf32, #tpu.memory_space<vmem>>
    %dma_start3A_71 = arith.constant 12500 : i32
    %dma_start3A_72 = arith.constant 0 : i32
    %dma_start3A_73 = tpu.memref_slice %arg3[%dma_start3A_71, %dma_start3A_72] : memref<37500x8xf32, #tpu.memory_space<hbm>> -> memref<12500x8xf32, #tpu.memory_space<hbm>>
    %dma_start3A_74 = arith.constant 0 : i32
    %dma_start3A_75 = arith.constant 0 : i32
    %dma_start3A_76 = tpu.memref_slice %dma_start3A_73[%dma_start3A_74, %dma_start3A_75] : memref<12500x8xf32, #tpu.memory_space<hbm>> -> memref<12500x8xf32, #tpu.memory_space<hbm>>
    %dma_start3A_77 = tpu.memref_slice %arg12[%dma_start3A_67] : memref<10x!tpu.dma_semaphore, #tpu.memory_space<semaphore_mem>> -> memref<1x!tpu.dma_semaphore, #tpu.memory_space<semaphore_mem>>
    %dma_start3A_78 = tpu.memref_squeeze %dma_start3A_77 : memref<1x!tpu.dma_semaphore, #tpu.memory_space<semaphore_mem>> -> memref<!tpu.dma_semaphore, #tpu.memory_space<semaphore_mem>>
    tpu.enqueue_indirect_dma source(%dma_start3A_76 : memref<12500x8xf32, #tpu.memory_space<hbm>>) target(%dma_start3A_70 : memref<512x8xf32, #tpu.memory_space<vmem>>) offsets(%arg8 : memref<512xi32, #tpu.memory_space<vmem>>) semaphore(%dma_start3A_78 : memref<!tpu.dma_semaphore, #tpu.memory_space<semaphore_mem>>)
    %dma_start3A_79 = arith.constant 6 : i32
    %dma_start3A_80 = arith.constant 3072 : i32
    %dma_start3A_81 = arith.constant 0 : i32
    %dma_start3A_82 = tpu.memref_slice %arg10[%dma_start3A_80, %dma_start3A_81] : memref<5120x8xf32, #tpu.memory_space<vmem>> -> memref<512x8xf32, #tpu.memory_space<vmem>>
    %dma_start3A_83 = arith.constant 25000 : i32
    %dma_start3A_84 = arith.constant 0 : i32
    %dma_start3A_85 = tpu.memref_slice %arg3[%dma_start3A_83, %dma_start3A_84] : memref<37500x8xf32, #tpu.memory_space<hbm>> -> memref<12500x8xf32, #tpu.memory_space<hbm>>
    %dma_start3A_86 = arith.constant 0 : i32
    %dma_start3A_87 = arith.constant 0 : i32
    %dma_start3A_88 = tpu.memref_slice %dma_start3A_85[%dma_start3A_86, %dma_start3A_87] : memref<12500x8xf32, #tpu.memory_space<hbm>> -> memref<12500x8xf32, #tpu.memory_space<hbm>>
    %dma_start3A_89 = tpu.memref_slice %arg12[%dma_start3A_79] : memref<10x!tpu.dma_semaphore, #tpu.memory_space<semaphore_mem>> -> memref<1x!tpu.dma_semaphore, #tpu.memory_space<semaphore_mem>>
    %dma_start3A_90 = tpu.memref_squeeze %dma_start3A_89 : memref<1x!tpu.dma_semaphore, #tpu.memory_space<semaphore_mem>> -> memref<!tpu.dma_semaphore, #tpu.memory_space<semaphore_mem>>
    tpu.enqueue_indirect_dma source(%dma_start3A_88 : memref<12500x8xf32, #tpu.memory_space<hbm>>) target(%dma_start3A_82 : memref<512x8xf32, #tpu.memory_space<vmem>>) offsets(%arg8 : memref<512xi32, #tpu.memory_space<vmem>>) semaphore(%dma_start3A_90 : memref<!tpu.dma_semaphore, #tpu.memory_space<semaphore_mem>>)
    %dma_start3A_91 = arith.constant 7 : i32
    %dma_start3A_92 = arith.constant 3584 : i32
    %dma_start3A_93 = arith.constant 0 : i32
    %dma_start3A_94 = tpu.memref_slice %arg10[%dma_start3A_92, %dma_start3A_93] : memref<5120x8xf32, #tpu.memory_space<vmem>> -> memref<512x8xf32, #tpu.memory_space<vmem>>
    %dma_start3A_95 = arith.constant 0 : i32
    %dma_start3A_96 = arith.constant 0 : i32
    %dma_start3A_97 = tpu.memref_slice %arg4[%dma_start3A_95, %dma_start3A_96] : memref<37500x8xf32, #tpu.memory_space<hbm>> -> memref<12500x8xf32, #tpu.memory_space<hbm>>
    %dma_start3A_98 = arith.constant 0 : i32
    %dma_start3A_99 = arith.constant 0 : i32
    %dma_start3A_100 = tpu.memref_slice %dma_start3A_97[%dma_start3A_98, %dma_start3A_99] : memref<12500x8xf32, #tpu.memory_space<hbm>> -> memref<12500x8xf32, #tpu.memory_space<hbm>>
    %dma_start3A_101 = tpu.memref_slice %arg12[%dma_start3A_91] : memref<10x!tpu.dma_semaphore, #tpu.memory_space<semaphore_mem>> -> memref<1x!tpu.dma_semaphore, #tpu.memory_space<semaphore_mem>>
    %dma_start3A_102 = tpu.memref_squeeze %dma_start3A_101 : memref<1x!tpu.dma_semaphore, #tpu.memory_space<semaphore_mem>> -> memref<!tpu.dma_semaphore, #tpu.memory_space<semaphore_mem>>
    tpu.enqueue_indirect_dma source(%dma_start3A_100 : memref<12500x8xf32, #tpu.memory_space<hbm>>) target(%dma_start3A_94 : memref<512x8xf32, #tpu.memory_space<vmem>>) offsets(%arg8 : memref<512xi32, #tpu.memory_space<vmem>>) semaphore(%dma_start3A_102 : memref<!tpu.dma_semaphore, #tpu.memory_space<semaphore_mem>>)
    %dma_start3A_103 = arith.constant 8 : i32
    %dma_start3A_104 = arith.constant 4096 : i32
    %dma_start3A_105 = arith.constant 0 : i32
    %dma_start3A_106 = tpu.memref_slice %arg10[%dma_start3A_104, %dma_start3A_105] : memref<5120x8xf32, #tpu.memory_space<vmem>> -> memref<512x8xf32, #tpu.memory_space<vmem>>
    %dma_start3A_107 = arith.constant 12500 : i32
    %dma_start3A_108 = arith.constant 0 : i32
    %dma_start3A_109 = tpu.memref_slice %arg4[%dma_start3A_107, %dma_start3A_108] : memref<37500x8xf32, #tpu.memory_space<hbm>> -> memref<12500x8xf32, #tpu.memory_space<hbm>>
    %dma_start3A_110 = arith.constant 0 : i32
    %dma_start3A_111 = arith.constant 0 : i32
    %dma_start3A_112 = tpu.memref_slice %dma_start3A_109[%dma_start3A_110, %dma_start3A_111] : memref<12500x8xf32, #tpu.memory_space<hbm>> -> memref<12500x8xf32, #tpu.memory_space<hbm>>
    %dma_start3A_113 = tpu.memref_slice %arg12[%dma_start3A_103] : memref<10x!tpu.dma_semaphore, #tpu.memory_space<semaphore_mem>> -> memref<1x!tpu.dma_semaphore, #tpu.memory_space<semaphore_mem>>
    %dma_start3A_114 = tpu.memref_squeeze %dma_start3A_113 : memref<1x!tpu.dma_semaphore, #tpu.memory_space<semaphore_mem>> -> memref<!tpu.dma_semaphore, #tpu.memory_space<semaphore_mem>>
    tpu.enqueue_indirect_dma source(%dma_start3A_112 : memref<12500x8xf32, #tpu.memory_space<hbm>>) target(%dma_start3A_106 : memref<512x8xf32, #tpu.memory_space<vmem>>) offsets(%arg8 : memref<512xi32, #tpu.memory_space<vmem>>) semaphore(%dma_start3A_114 : memref<!tpu.dma_semaphore, #tpu.memory_space<semaphore_mem>>)
    %dma_start3A_115 = arith.constant 9 : i32
    %dma_start3A_116 = arith.constant 4608 : i32
    %dma_start3A_117 = arith.constant 0 : i32
    %dma_start3A_118 = tpu.memref_slice %arg10[%dma_start3A_116, %dma_start3A_117] : memref<5120x8xf32, #tpu.memory_space<vmem>> -> memref<512x8xf32, #tpu.memory_space<vmem>>
    %dma_start3A_119 = arith.constant 25000 : i32
    %dma_start3A_120 = arith.constant 0 : i32
    %dma_start3A_121 = tpu.memref_slice %arg4[%dma_start3A_119, %dma_start3A_120] : memref<37500x8xf32, #tpu.memory_space<hbm>> -> memref<12500x8xf32, #tpu.memory_space<hbm>>
    %dma_start3A_122 = arith.constant 0 : i32
    %dma_start3A_123 = arith.constant 0 : i32
    %dma_start3A_124 = tpu.memref_slice %dma_start3A_121[%dma_start3A_122, %dma_start3A_123] : memref<12500x8xf32, #tpu.memory_space<hbm>> -> memref<12500x8xf32, #tpu.memory_space<hbm>>
    %dma_start3A_125 = tpu.memref_slice %arg12[%dma_start3A_115] : memref<10x!tpu.dma_semaphore, #tpu.memory_space<semaphore_mem>> -> memref<1x!tpu.dma_semaphore, #tpu.memory_space<semaphore_mem>>
    %dma_start3A_126 = tpu.memref_squeeze %dma_start3A_125 : memref<1x!tpu.dma_semaphore, #tpu.memory_space<semaphore_mem>> -> memref<!tpu.dma_semaphore, #tpu.memory_space<semaphore_mem>>
    tpu.enqueue_indirect_dma source(%dma_start3A_124 : memref<12500x8xf32, #tpu.memory_space<hbm>>) target(%dma_start3A_118 : memref<512x8xf32, #tpu.memory_space<vmem>>) offsets(%arg8 : memref<512xi32, #tpu.memory_space<vmem>>) semaphore(%dma_start3A_126 : memref<!tpu.dma_semaphore, #tpu.memory_space<semaphore_mem>>)
    %dma_wait3A = arith.constant 0 : i32
    %dma_wait3A_127 = arith.constant 0 : i32
    %dma_wait3A_128 = arith.constant 0 : i32
    %dma_wait3A_129 = tpu.memref_slice %arg10[%dma_wait3A_127, %dma_wait3A_128] : memref<5120x8xf32, #tpu.memory_space<vmem>> -> memref<512x8xf32, #tpu.memory_space<vmem>>
    %dma_wait3A_130 = arith.constant 0 : i32
    %dma_wait3A_131 = arith.constant 0 : i32
    %dma_wait3A_132 = tpu.memref_slice %arg2[%dma_wait3A_130, %dma_wait3A_131] : memref<50000x8xf32, #tpu.memory_space<hbm>> -> memref<12500x8xf32, #tpu.memory_space<hbm>>
    %dma_wait3A_133 = arith.constant 0 : i32
    %dma_wait3A_134 = arith.constant 0 : i32
    %dma_wait3A_135 = tpu.memref_slice %dma_wait3A_132[%dma_wait3A_133, %dma_wait3A_134] : memref<12500x8xf32, #tpu.memory_space<hbm>> -> memref<12500x8xf32, #tpu.memory_space<hbm>>
    %dma_wait3A_136 = tpu.memref_slice %arg12[%dma_wait3A] : memref<10x!tpu.dma_semaphore, #tpu.memory_space<semaphore_mem>> -> memref<1x!tpu.dma_semaphore, #tpu.memory_space<semaphore_mem>>
    %dma_wait3A_137 = tpu.memref_squeeze %dma_wait3A_136 : memref<1x!tpu.dma_semaphore, #tpu.memory_space<semaphore_mem>> -> memref<!tpu.dma_semaphore, #tpu.memory_space<semaphore_mem>>
    tpu.wait_indirect_dma semaphore(%dma_wait3A_137 : memref<!tpu.dma_semaphore, #tpu.memory_space<semaphore_mem>>) src(%dma_wait3A_135 : memref<12500x8xf32, #tpu.memory_space<hbm>>) dst(%dma_wait3A_129 : memref<512x8xf32, #tpu.memory_space<vmem>>)
    %scan3A_138 = arith.constant 0 : i32
    %scan3A_139 = arith.constant 0 : i32
    %scan3A_140 = arith.constant 32 : i32
    %scan3A_141 = arith.addi %scan3A_139, %scan3A_140 : i32
    %scan3A_142 = arith.constant 1 : i32
    scf.for %scan3A_546 = %scan3A_139 to %scan3A_141 step %scan3A_142  : i32 {
      %mul3A_547 = arith.constant 16 : i32
      %mul3A_548 = arith.muli %scan3A_546, %mul3A_547 : i32
      %add3A_549 = vector.broadcast %mul3A_548 : i32 to vector<16xi32>
      %add3A_550 = arith.addi %add3A_549, %iota3A : vector<16xi32>
      %mul3A_551 = arith.constant 16 : i32
      %mul3A_552 = arith.muli %scan3A_546, %mul3A_551 : i32
      %get3A = arith.index_cast %mul3A_552 : i32 to index
      %get3A_553 = tpu.vector_load %arg9[%get3A] {strides = array<i32>} : memref<512xi32, #tpu.memory_space<vmem>>, vector<16xi32>,
      %add3A_554 = arith.constant 0 : i32
      %add3A_555 = vector.broadcast %add3A_554 : i32 to vector<16xi32>
      %add3A_556 = arith.addi %add3A_555, %add3A_550 : vector<16xi32>
      %gather3A = tpu.vector_load_idx %arg10[%add3A_556, %get3A_553] : memref<5120x8xf32, #tpu.memory_space<vmem>>[vector<16xi32>, vector<16xi32>], vector<16xf32>,
      %broadcast_in_dim3A = arith.constant 0 : i32
      %broadcast_in_dim3A_557 = vector.broadcast %broadcast_in_dim3A : i32 to vector<16xi32>
      tpu.vector_store_idx %arg11[%broadcast_in_dim3A_557, %add3A_550], %gather3A : memref<10x512xf32, #tpu.memory_space<vmem>>[vector<16xi32>, vector<16xi32>], vector<16xf32>,
    }
    %scan3A_143 = arith.constant 32 : i32
    %dma_start3A_144 = arith.constant 0 : i32
    %dma_start3A_145 = arith.constant 0 : i32
    %dma_start3A_146 = arith.constant 0 : i32
    %dma_start3A_147 = tpu.memref_slice %arg11[%dma_start3A_144, %dma_start3A_146] : memref<10x512xf32, #tpu.memory_space<vmem>> -> memref<1x512xf32, #tpu.memory_space<vmem>>
    %dma_start3A_148 = tpu.memref_squeeze %dma_start3A_147 : memref<1x512xf32, #tpu.memory_space<vmem>> -> memref<512xf32, #tpu.memory_space<vmem>>
    %dma_start3A_149 = tpu.memref_slice %arg6[%dma_start3A_145, %mul3A_2] : memref<10x16384xf32, #tpu.memory_space<hbm>> -> memref<1x512xf32, #tpu.memory_space<hbm>>
    %dma_start3A_150 = tpu.memref_squeeze %dma_start3A_149 : memref<1x512xf32, #tpu.memory_space<hbm>> -> memref<512xf32, #tpu.memory_space<hbm>>
    %dma_start3A_151 = tpu.memref_slice %arg6[%dma_start3A_145, %mul3A_2] : memref<10x16384xf32, #tpu.memory_space<hbm>> -> memref<1x512xf32, #tpu.memory_space<hbm>>
    %dma_start3A_152 = tpu.memref_squeeze %dma_start3A_151 : memref<1x512xf32, #tpu.memory_space<hbm>> -> memref<512xf32, #tpu.memory_space<hbm>>
    %dma_start3A_153 = arith.constant 0 : i32
    %dma_start3A_154 = tpu.memref_slice %arg11[%dma_start3A_144, %dma_start3A_153] : memref<10x512xf32, #tpu.memory_space<vmem>> -> memref<1x512xf32, #tpu.memory_space<vmem>>
    %dma_start3A_155 = tpu.memref_squeeze %dma_start3A_154 : memref<1x512xf32, #tpu.memory_space<vmem>> -> memref<512xf32, #tpu.memory_space<vmem>>
    tpu.enqueue_dma source(%dma_start3A_155 : memref<512xf32, #tpu.memory_space<vmem>>) target(%dma_start3A_152 : memref<512xf32, #tpu.memory_space<hbm>>) target_semaphore(%arg13 : memref<!tpu.dma_semaphore, #tpu.memory_space<semaphore_mem>>)
    %dma_wait3A_156 = arith.constant 1 : i32
    %dma_wait3A_157 = arith.constant 512 : i32
    %dma_wait3A_158 = arith.constant 0 : i32
    %dma_wait3A_159 = tpu.memref_slice %arg10[%dma_wait3A_157, %dma_wait3A_158] : memref<5120x8xf32, #tpu.memory_space<vmem>> -> memref<512x8xf32, #tpu.memory_space<vmem>>
    %dma_wait3A_160 = arith.constant 12500 : i32
    %dma_wait3A_161 = arith.constant 0 : i32
    %dma_wait3A_162 = tpu.memref_slice %arg2[%dma_wait3A_160, %dma_wait3A_161] : memref<50000x8xf32, #tpu.memory_space<hbm>> -> memref<12500x8xf32, #tpu.memory_space<hbm>>
    %dma_wait3A_163 = arith.constant 0 : i32
    %dma_wait3A_164 = arith.constant 0 : i32
    %dma_wait3A_165 = tpu.memref_slice %dma_wait3A_162[%dma_wait3A_163, %dma_wait3A_164] : memref<12500x8xf32, #tpu.memory_space<hbm>> -> memref<12500x8xf32, #tpu.memory_space<hbm>>
    %dma_wait3A_166 = tpu.memref_slice %arg12[%dma_wait3A_156] : memref<10x!tpu.dma_semaphore, #tpu.memory_space<semaphore_mem>> -> memref<1x!tpu.dma_semaphore, #tpu.memory_space<semaphore_mem>>
    %dma_wait3A_167 = tpu.memref_squeeze %dma_wait3A_166 : memref<1x!tpu.dma_semaphore, #tpu.memory_space<semaphore_mem>> -> memref<!tpu.dma_semaphore, #tpu.memory_space<semaphore_mem>>
    tpu.wait_indirect_dma semaphore(%dma_wait3A_167 : memref<!tpu.dma_semaphore, #tpu.memory_space<semaphore_mem>>) src(%dma_wait3A_165 : memref<12500x8xf32, #tpu.memory_space<hbm>>) dst(%dma_wait3A_159 : memref<512x8xf32, #tpu.memory_space<vmem>>)
    %scan3A_168 = arith.constant 0 : i32
    %scan3A_169 = arith.constant 0 : i32
    %scan3A_170 = arith.constant 32 : i32
    %scan3A_171 = arith.addi %scan3A_169, %scan3A_170 : i32
    %scan3A_172 = arith.constant 1 : i32
    scf.for %scan3A_546 = %scan3A_169 to %scan3A_171 step %scan3A_172  : i32 {
      %mul3A_547 = arith.constant 16 : i32
      %mul3A_548 = arith.muli %scan3A_546, %mul3A_547 : i32
      %add3A_549 = vector.broadcast %mul3A_548 : i32 to vector<16xi32>
      %add3A_550 = arith.addi %add3A_549, %iota3A : vector<16xi32>
      %mul3A_551 = arith.constant 16 : i32
      %mul3A_552 = arith.muli %scan3A_546, %mul3A_551 : i32
      %get3A = arith.index_cast %mul3A_552 : i32 to index
      %get3A_553 = tpu.vector_load %arg9[%get3A] {strides = array<i32>} : memref<512xi32, #tpu.memory_space<vmem>>, vector<16xi32>,
      %add3A_554 = arith.constant 512 : i32
      %add3A_555 = vector.broadcast %add3A_554 : i32 to vector<16xi32>
      %add3A_556 = arith.addi %add3A_555, %add3A_550 : vector<16xi32>
      %gather3A = tpu.vector_load_idx %arg10[%add3A_556, %get3A_553] : memref<5120x8xf32, #tpu.memory_space<vmem>>[vector<16xi32>, vector<16xi32>], vector<16xf32>,
      %broadcast_in_dim3A = arith.constant 1 : i32
      %broadcast_in_dim3A_557 = vector.broadcast %broadcast_in_dim3A : i32 to vector<16xi32>
      tpu.vector_store_idx %arg11[%broadcast_in_dim3A_557, %add3A_550], %gather3A : memref<10x512xf32, #tpu.memory_space<vmem>>[vector<16xi32>, vector<16xi32>], vector<16xf32>,
    }
    %scan3A_173 = arith.constant 32 : i32
    %dma_start3A_174 = arith.constant 1 : i32
    %dma_start3A_175 = arith.constant 1 : i32
    %dma_start3A_176 = arith.constant 0 : i32
    %dma_start3A_177 = tpu.memref_slice %arg11[%dma_start3A_174, %dma_start3A_176] : memref<10x512xf32, #tpu.memory_space<vmem>> -> memref<1x512xf32, #tpu.memory_space<vmem>>
    %dma_start3A_178 = tpu.memref_squeeze %dma_start3A_177 : memref<1x512xf32, #tpu.memory_space<vmem>> -> memref<512xf32, #tpu.memory_space<vmem>>
    %dma_start3A_179 = tpu.memref_slice %arg6[%dma_start3A_175, %mul3A_2] : memref<10x16384xf32, #tpu.memory_space<hbm>> -> memref<1x512xf32, #tpu.memory_space<hbm>>
    %dma_start3A_180 = tpu.memref_squeeze %dma_start3A_179 : memref<1x512xf32, #tpu.memory_space<hbm>> -> memref<512xf32, #tpu.memory_space<hbm>>
    %dma_start3A_181 = tpu.memref_slice %arg6[%dma_start3A_175, %mul3A_2] : memref<10x16384xf32, #tpu.memory_space<hbm>> -> memref<1x512xf32, #tpu.memory_space<hbm>>
    %dma_start3A_182 = tpu.memref_squeeze %dma_start3A_181 : memref<1x512xf32, #tpu.memory_space<hbm>> -> memref<512xf32, #tpu.memory_space<hbm>>
    %dma_start3A_183 = arith.constant 0 : i32
    %dma_start3A_184 = tpu.memref_slice %arg11[%dma_start3A_174, %dma_start3A_183] : memref<10x512xf32, #tpu.memory_space<vmem>> -> memref<1x512xf32, #tpu.memory_space<vmem>>
    %dma_start3A_185 = tpu.memref_squeeze %dma_start3A_184 : memref<1x512xf32, #tpu.memory_space<vmem>> -> memref<512xf32, #tpu.memory_space<vmem>>
    tpu.enqueue_dma source(%dma_start3A_185 : memref<512xf32, #tpu.memory_space<vmem>>) target(%dma_start3A_182 : memref<512xf32, #tpu.memory_space<hbm>>) target_semaphore(%arg13 : memref<!tpu.dma_semaphore, #tpu.memory_space<semaphore_mem>>)
    %dma_wait3A_186 = arith.constant 2 : i32
    %dma_wait3A_187 = arith.constant 1024 : i32
    %dma_wait3A_188 = arith.constant 0 : i32
    %dma_wait3A_189 = tpu.memref_slice %arg10[%dma_wait3A_187, %dma_wait3A_188] : memref<5120x8xf32, #tpu.memory_space<vmem>> -> memref<512x8xf32, #tpu.memory_space<vmem>>
    %dma_wait3A_190 = arith.constant 25000 : i32
    %dma_wait3A_191 = arith.constant 0 : i32
    %dma_wait3A_192 = tpu.memref_slice %arg2[%dma_wait3A_190, %dma_wait3A_191] : memref<50000x8xf32, #tpu.memory_space<hbm>> -> memref<12500x8xf32, #tpu.memory_space<hbm>>
    %dma_wait3A_193 = arith.constant 0 : i32
    %dma_wait3A_194 = arith.constant 0 : i32
    %dma_wait3A_195 = tpu.memref_slice %dma_wait3A_192[%dma_wait3A_193, %dma_wait3A_194] : memref<12500x8xf32, #tpu.memory_space<hbm>> -> memref<12500x8xf32, #tpu.memory_space<hbm>>
    %dma_wait3A_196 = tpu.memref_slice %arg12[%dma_wait3A_186] : memref<10x!tpu.dma_semaphore, #tpu.memory_space<semaphore_mem>> -> memref<1x!tpu.dma_semaphore, #tpu.memory_space<semaphore_mem>>
    %dma_wait3A_197 = tpu.memref_squeeze %dma_wait3A_196 : memref<1x!tpu.dma_semaphore, #tpu.memory_space<semaphore_mem>> -> memref<!tpu.dma_semaphore, #tpu.memory_space<semaphore_mem>>
    tpu.wait_indirect_dma semaphore(%dma_wait3A_197 : memref<!tpu.dma_semaphore, #tpu.memory_space<semaphore_mem>>) src(%dma_wait3A_195 : memref<12500x8xf32, #tpu.memory_space<hbm>>) dst(%dma_wait3A_189 : memref<512x8xf32, #tpu.memory_space<vmem>>)
    %scan3A_198 = arith.constant 0 : i32
    %scan3A_199 = arith.constant 0 : i32
    %scan3A_200 = arith.constant 32 : i32
    %scan3A_201 = arith.addi %scan3A_199, %scan3A_200 : i32
    %scan3A_202 = arith.constant 1 : i32
    scf.for %scan3A_546 = %scan3A_199 to %scan3A_201 step %scan3A_202  : i32 {
      %mul3A_547 = arith.constant 16 : i32
      %mul3A_548 = arith.muli %scan3A_546, %mul3A_547 : i32
      %add3A_549 = vector.broadcast %mul3A_548 : i32 to vector<16xi32>
      %add3A_550 = arith.addi %add3A_549, %iota3A : vector<16xi32>
      %mul3A_551 = arith.constant 16 : i32
      %mul3A_552 = arith.muli %scan3A_546, %mul3A_551 : i32
      %get3A = arith.index_cast %mul3A_552 : i32 to index
      %get3A_553 = tpu.vector_load %arg9[%get3A] {strides = array<i32>} : memref<512xi32, #tpu.memory_space<vmem>>, vector<16xi32>,
      %add3A_554 = arith.constant 1024 : i32
      %add3A_555 = vector.broadcast %add3A_554 : i32 to vector<16xi32>
      %add3A_556 = arith.addi %add3A_555, %add3A_550 : vector<16xi32>
      %gather3A = tpu.vector_load_idx %arg10[%add3A_556, %get3A_553] : memref<5120x8xf32, #tpu.memory_space<vmem>>[vector<16xi32>, vector<16xi32>], vector<16xf32>,
      %broadcast_in_dim3A = arith.constant 2 : i32
      %broadcast_in_dim3A_557 = vector.broadcast %broadcast_in_dim3A : i32 to vector<16xi32>
      tpu.vector_store_idx %arg11[%broadcast_in_dim3A_557, %add3A_550], %gather3A : memref<10x512xf32, #tpu.memory_space<vmem>>[vector<16xi32>, vector<16xi32>], vector<16xf32>,
    }
    %scan3A_203 = arith.constant 32 : i32
    %dma_start3A_204 = arith.constant 2 : i32
    %dma_start3A_205 = arith.constant 2 : i32
    %dma_start3A_206 = arith.constant 0 : i32
    %dma_start3A_207 = tpu.memref_slice %arg11[%dma_start3A_204, %dma_start3A_206] : memref<10x512xf32, #tpu.memory_space<vmem>> -> memref<1x512xf32, #tpu.memory_space<vmem>>
    %dma_start3A_208 = tpu.memref_squeeze %dma_start3A_207 : memref<1x512xf32, #tpu.memory_space<vmem>> -> memref<512xf32, #tpu.memory_space<vmem>>
    %dma_start3A_209 = tpu.memref_slice %arg6[%dma_start3A_205, %mul3A_2] : memref<10x16384xf32, #tpu.memory_space<hbm>> -> memref<1x512xf32, #tpu.memory_space<hbm>>
    %dma_start3A_210 = tpu.memref_squeeze %dma_start3A_209 : memref<1x512xf32, #tpu.memory_space<hbm>> -> memref<512xf32, #tpu.memory_space<hbm>>
    %dma_start3A_211 = tpu.memref_slice %arg6[%dma_start3A_205, %mul3A_2] : memref<10x16384xf32, #tpu.memory_space<hbm>> -> memref<1x512xf32, #tpu.memory_space<hbm>>
    %dma_start3A_212 = tpu.memref_squeeze %dma_start3A_211 : memref<1x512xf32, #tpu.memory_space<hbm>> -> memref<512xf32, #tpu.memory_space<hbm>>
    %dma_start3A_213 = arith.constant 0 : i32
    %dma_start3A_214 = tpu.memref_slice %arg11[%dma_start3A_204, %dma_start3A_213] : memref<10x512xf32, #tpu.memory_space<vmem>> -> memref<1x512xf32, #tpu.memory_space<vmem>>
    %dma_start3A_215 = tpu.memref_squeeze %dma_start3A_214 : memref<1x512xf32, #tpu.memory_space<vmem>> -> memref<512xf32, #tpu.memory_space<vmem>>
    tpu.enqueue_dma source(%dma_start3A_215 : memref<512xf32, #tpu.memory_space<vmem>>) target(%dma_start3A_212 : memref<512xf32, #tpu.memory_space<hbm>>) target_semaphore(%arg13 : memref<!tpu.dma_semaphore, #tpu.memory_space<semaphore_mem>>)
    %dma_wait3A_216 = arith.constant 3 : i32
    %dma_wait3A_217 = arith.constant 1536 : i32
    %dma_wait3A_218 = arith.constant 0 : i32
    %dma_wait3A_219 = tpu.memref_slice %arg10[%dma_wait3A_217, %dma_wait3A_218] : memref<5120x8xf32, #tpu.memory_space<vmem>> -> memref<512x8xf32, #tpu.memory_space<vmem>>
    %dma_wait3A_220 = arith.constant 37500 : i32
    %dma_wait3A_221 = arith.constant 0 : i32
    %dma_wait3A_222 = tpu.memref_slice %arg2[%dma_wait3A_220, %dma_wait3A_221] : memref<50000x8xf32, #tpu.memory_space<hbm>> -> memref<12500x8xf32, #tpu.memory_space<hbm>>
    %dma_wait3A_223 = arith.constant 0 : i32
    %dma_wait3A_224 = arith.constant 0 : i32
    %dma_wait3A_225 = tpu.memref_slice %dma_wait3A_222[%dma_wait3A_223, %dma_wait3A_224] : memref<12500x8xf32, #tpu.memory_space<hbm>> -> memref<12500x8xf32, #tpu.memory_space<hbm>>
    %dma_wait3A_226 = tpu.memref_slice %arg12[%dma_wait3A_216] : memref<10x!tpu.dma_semaphore, #tpu.memory_space<semaphore_mem>> -> memref<1x!tpu.dma_semaphore, #tpu.memory_space<semaphore_mem>>
    %dma_wait3A_227 = tpu.memref_squeeze %dma_wait3A_226 : memref<1x!tpu.dma_semaphore, #tpu.memory_space<semaphore_mem>> -> memref<!tpu.dma_semaphore, #tpu.memory_space<semaphore_mem>>
    tpu.wait_indirect_dma semaphore(%dma_wait3A_227 : memref<!tpu.dma_semaphore, #tpu.memory_space<semaphore_mem>>) src(%dma_wait3A_225 : memref<12500x8xf32, #tpu.memory_space<hbm>>) dst(%dma_wait3A_219 : memref<512x8xf32, #tpu.memory_space<vmem>>)
    %scan3A_228 = arith.constant 0 : i32
    %scan3A_229 = arith.constant 0 : i32
    %scan3A_230 = arith.constant 32 : i32
    %scan3A_231 = arith.addi %scan3A_229, %scan3A_230 : i32
    %scan3A_232 = arith.constant 1 : i32
    scf.for %scan3A_546 = %scan3A_229 to %scan3A_231 step %scan3A_232  : i32 {
      %mul3A_547 = arith.constant 16 : i32
      %mul3A_548 = arith.muli %scan3A_546, %mul3A_547 : i32
      %add3A_549 = vector.broadcast %mul3A_548 : i32 to vector<16xi32>
      %add3A_550 = arith.addi %add3A_549, %iota3A : vector<16xi32>
      %mul3A_551 = arith.constant 16 : i32
      %mul3A_552 = arith.muli %scan3A_546, %mul3A_551 : i32
      %get3A = arith.index_cast %mul3A_552 : i32 to index
      %get3A_553 = tpu.vector_load %arg9[%get3A] {strides = array<i32>} : memref<512xi32, #tpu.memory_space<vmem>>, vector<16xi32>,
      %add3A_554 = arith.constant 1536 : i32
      %add3A_555 = vector.broadcast %add3A_554 : i32 to vector<16xi32>
      %add3A_556 = arith.addi %add3A_555, %add3A_550 : vector<16xi32>
      %gather3A = tpu.vector_load_idx %arg10[%add3A_556, %get3A_553] : memref<5120x8xf32, #tpu.memory_space<vmem>>[vector<16xi32>, vector<16xi32>], vector<16xf32>,
      %broadcast_in_dim3A = arith.constant 3 : i32
      %broadcast_in_dim3A_557 = vector.broadcast %broadcast_in_dim3A : i32 to vector<16xi32>
      tpu.vector_store_idx %arg11[%broadcast_in_dim3A_557, %add3A_550], %gather3A : memref<10x512xf32, #tpu.memory_space<vmem>>[vector<16xi32>, vector<16xi32>], vector<16xf32>,
    }
    %scan3A_233 = arith.constant 32 : i32
    %dma_start3A_234 = arith.constant 3 : i32
    %dma_start3A_235 = arith.constant 3 : i32
    %dma_start3A_236 = arith.constant 0 : i32
    %dma_start3A_237 = tpu.memref_slice %arg11[%dma_start3A_234, %dma_start3A_236] : memref<10x512xf32, #tpu.memory_space<vmem>> -> memref<1x512xf32, #tpu.memory_space<vmem>>
    %dma_start3A_238 = tpu.memref_squeeze %dma_start3A_237 : memref<1x512xf32, #tpu.memory_space<vmem>> -> memref<512xf32, #tpu.memory_space<vmem>>
    %dma_start3A_239 = tpu.memref_slice %arg6[%dma_start3A_235, %mul3A_2] : memref<10x16384xf32, #tpu.memory_space<hbm>> -> memref<1x512xf32, #tpu.memory_space<hbm>>
    %dma_start3A_240 = tpu.memref_squeeze %dma_start3A_239 : memref<1x512xf32, #tpu.memory_space<hbm>> -> memref<512xf32, #tpu.memory_space<hbm>>
    %dma_start3A_241 = tpu.memref_slice %arg6[%dma_start3A_235, %mul3A_2] : memref<10x16384xf32, #tpu.memory_space<hbm>> -> memref<1x512xf32, #tpu.memory_space<hbm>>
    %dma_start3A_242 = tpu.memref_squeeze %dma_start3A_241 : memref<1x512xf32, #tpu.memory_space<hbm>> -> memref<512xf32, #tpu.memory_space<hbm>>
    %dma_start3A_243 = arith.constant 0 : i32
    %dma_start3A_244 = tpu.memref_slice %arg11[%dma_start3A_234, %dma_start3A_243] : memref<10x512xf32, #tpu.memory_space<vmem>> -> memref<1x512xf32, #tpu.memory_space<vmem>>
    %dma_start3A_245 = tpu.memref_squeeze %dma_start3A_244 : memref<1x512xf32, #tpu.memory_space<vmem>> -> memref<512xf32, #tpu.memory_space<vmem>>
    tpu.enqueue_dma source(%dma_start3A_245 : memref<512xf32, #tpu.memory_space<vmem>>) target(%dma_start3A_242 : memref<512xf32, #tpu.memory_space<hbm>>) target_semaphore(%arg13 : memref<!tpu.dma_semaphore, #tpu.memory_space<semaphore_mem>>)
    %dma_wait3A_246 = arith.constant 4 : i32
    %dma_wait3A_247 = arith.constant 2048 : i32
    %dma_wait3A_248 = arith.constant 0 : i32
    %dma_wait3A_249 = tpu.memref_slice %arg10[%dma_wait3A_247, %dma_wait3A_248] : memref<5120x8xf32, #tpu.memory_space<vmem>> -> memref<512x8xf32, #tpu.memory_space<vmem>>
    %dma_wait3A_250 = arith.constant 0 : i32
    %dma_wait3A_251 = arith.constant 0 : i32
    %dma_wait3A_252 = tpu.memref_slice %arg3[%dma_wait3A_250, %dma_wait3A_251] : memref<37500x8xf32, #tpu.memory_space<hbm>> -> memref<12500x8xf32, #tpu.memory_space<hbm>>
    %dma_wait3A_253 = arith.constant 0 : i32
    %dma_wait3A_254 = arith.constant 0 : i32
    %dma_wait3A_255 = tpu.memref_slice %dma_wait3A_252[%dma_wait3A_253, %dma_wait3A_254] : memref<12500x8xf32, #tpu.memory_space<hbm>> -> memref<12500x8xf32, #tpu.memory_space<hbm>>
    %dma_wait3A_256 = tpu.memref_slice %arg12[%dma_wait3A_246] : memref<10x!tpu.dma_semaphore, #tpu.memory_space<semaphore_mem>> -> memref<1x!tpu.dma_semaphore, #tpu.memory_space<semaphore_mem>>
    %dma_wait3A_257 = tpu.memref_squeeze %dma_wait3A_256 : memref<1x!tpu.dma_semaphore, #tpu.memory_space<semaphore_mem>> -> memref<!tpu.dma_semaphore, #tpu.memory_space<semaphore_mem>>
    tpu.wait_indirect_dma semaphore(%dma_wait3A_257 : memref<!tpu.dma_semaphore, #tpu.memory_space<semaphore_mem>>) src(%dma_wait3A_255 : memref<12500x8xf32, #tpu.memory_space<hbm>>) dst(%dma_wait3A_249 : memref<512x8xf32, #tpu.memory_space<vmem>>)
    %scan3A_258 = arith.constant 0 : i32
    %scan3A_259 = arith.constant 0 : i32
    %scan3A_260 = arith.constant 32 : i32
    %scan3A_261 = arith.addi %scan3A_259, %scan3A_260 : i32
    %scan3A_262 = arith.constant 1 : i32
    scf.for %scan3A_546 = %scan3A_259 to %scan3A_261 step %scan3A_262  : i32 {
      %mul3A_547 = arith.constant 16 : i32
      %mul3A_548 = arith.muli %scan3A_546, %mul3A_547 : i32
      %add3A_549 = vector.broadcast %mul3A_548 : i32 to vector<16xi32>
      %add3A_550 = arith.addi %add3A_549, %iota3A : vector<16xi32>
      %mul3A_551 = arith.constant 16 : i32
      %mul3A_552 = arith.muli %scan3A_546, %mul3A_551 : i32
      %get3A = arith.index_cast %mul3A_552 : i32 to index
      %get3A_553 = tpu.vector_load %arg9[%get3A] {strides = array<i32>} : memref<512xi32, #tpu.memory_space<vmem>>, vector<16xi32>,
      %add3A_554 = arith.constant 2048 : i32
      %add3A_555 = vector.broadcast %add3A_554 : i32 to vector<16xi32>
      %add3A_556 = arith.addi %add3A_555, %add3A_550 : vector<16xi32>
      %gather3A = tpu.vector_load_idx %arg10[%add3A_556, %get3A_553] : memref<5120x8xf32, #tpu.memory_space<vmem>>[vector<16xi32>, vector<16xi32>], vector<16xf32>,
      %broadcast_in_dim3A = arith.constant 4 : i32
      %broadcast_in_dim3A_557 = vector.broadcast %broadcast_in_dim3A : i32 to vector<16xi32>
      tpu.vector_store_idx %arg11[%broadcast_in_dim3A_557, %add3A_550], %gather3A : memref<10x512xf32, #tpu.memory_space<vmem>>[vector<16xi32>, vector<16xi32>], vector<16xf32>,
    }
    %scan3A_263 = arith.constant 32 : i32
    %dma_start3A_264 = arith.constant 4 : i32
    %dma_start3A_265 = arith.constant 4 : i32
    %dma_start3A_266 = arith.constant 0 : i32
    %dma_start3A_267 = tpu.memref_slice %arg11[%dma_start3A_264, %dma_start3A_266] : memref<10x512xf32, #tpu.memory_space<vmem>> -> memref<1x512xf32, #tpu.memory_space<vmem>>
    %dma_start3A_268 = tpu.memref_squeeze %dma_start3A_267 : memref<1x512xf32, #tpu.memory_space<vmem>> -> memref<512xf32, #tpu.memory_space<vmem>>
    %dma_start3A_269 = tpu.memref_slice %arg6[%dma_start3A_265, %mul3A_2] : memref<10x16384xf32, #tpu.memory_space<hbm>> -> memref<1x512xf32, #tpu.memory_space<hbm>>
    %dma_start3A_270 = tpu.memref_squeeze %dma_start3A_269 : memref<1x512xf32, #tpu.memory_space<hbm>> -> memref<512xf32, #tpu.memory_space<hbm>>
    %dma_start3A_271 = tpu.memref_slice %arg6[%dma_start3A_265, %mul3A_2] : memref<10x16384xf32, #tpu.memory_space<hbm>> -> memref<1x512xf32, #tpu.memory_space<hbm>>
    %dma_start3A_272 = tpu.memref_squeeze %dma_start3A_271 : memref<1x512xf32, #tpu.memory_space<hbm>> -> memref<512xf32, #tpu.memory_space<hbm>>
    %dma_start3A_273 = arith.constant 0 : i32
    %dma_start3A_274 = tpu.memref_slice %arg11[%dma_start3A_264, %dma_start3A_273] : memref<10x512xf32, #tpu.memory_space<vmem>> -> memref<1x512xf32, #tpu.memory_space<vmem>>
    %dma_start3A_275 = tpu.memref_squeeze %dma_start3A_274 : memref<1x512xf32, #tpu.memory_space<vmem>> -> memref<512xf32, #tpu.memory_space<vmem>>
    tpu.enqueue_dma source(%dma_start3A_275 : memref<512xf32, #tpu.memory_space<vmem>>) target(%dma_start3A_272 : memref<512xf32, #tpu.memory_space<hbm>>) target_semaphore(%arg13 : memref<!tpu.dma_semaphore, #tpu.memory_space<semaphore_mem>>)
    %dma_wait3A_276 = arith.constant 5 : i32
    %dma_wait3A_277 = arith.constant 2560 : i32
    %dma_wait3A_278 = arith.constant 0 : i32
    %dma_wait3A_279 = tpu.memref_slice %arg10[%dma_wait3A_277, %dma_wait3A_278] : memref<5120x8xf32, #tpu.memory_space<vmem>> -> memref<512x8xf32, #tpu.memory_space<vmem>>
    %dma_wait3A_280 = arith.constant 12500 : i32
    %dma_wait3A_281 = arith.constant 0 : i32
    %dma_wait3A_282 = tpu.memref_slice %arg3[%dma_wait3A_280, %dma_wait3A_281] : memref<37500x8xf32, #tpu.memory_space<hbm>> -> memref<12500x8xf32, #tpu.memory_space<hbm>>
    %dma_wait3A_283 = arith.constant 0 : i32
    %dma_wait3A_284 = arith.constant 0 : i32
    %dma_wait3A_285 = tpu.memref_slice %dma_wait3A_282[%dma_wait3A_283, %dma_wait3A_284] : memref<12500x8xf32, #tpu.memory_space<hbm>> -> memref<12500x8xf32, #tpu.memory_space<hbm>>
    %dma_wait3A_286 = tpu.memref_slice %arg12[%dma_wait3A_276] : memref<10x!tpu.dma_semaphore, #tpu.memory_space<semaphore_mem>> -> memref<1x!tpu.dma_semaphore, #tpu.memory_space<semaphore_mem>>
    %dma_wait3A_287 = tpu.memref_squeeze %dma_wait3A_286 : memref<1x!tpu.dma_semaphore, #tpu.memory_space<semaphore_mem>> -> memref<!tpu.dma_semaphore, #tpu.memory_space<semaphore_mem>>
    tpu.wait_indirect_dma semaphore(%dma_wait3A_287 : memref<!tpu.dma_semaphore, #tpu.memory_space<semaphore_mem>>) src(%dma_wait3A_285 : memref<12500x8xf32, #tpu.memory_space<hbm>>) dst(%dma_wait3A_279 : memref<512x8xf32, #tpu.memory_space<vmem>>)
    %scan3A_288 = arith.constant 0 : i32
    %scan3A_289 = arith.constant 0 : i32
    %scan3A_290 = arith.constant 32 : i32
    %scan3A_291 = arith.addi %scan3A_289, %scan3A_290 : i32
    %scan3A_292 = arith.constant 1 : i32
    scf.for %scan3A_546 = %scan3A_289 to %scan3A_291 step %scan3A_292  : i32 {
      %mul3A_547 = arith.constant 16 : i32
      %mul3A_548 = arith.muli %scan3A_546, %mul3A_547 : i32
      %add3A_549 = vector.broadcast %mul3A_548 : i32 to vector<16xi32>
      %add3A_550 = arith.addi %add3A_549, %iota3A : vector<16xi32>
      %mul3A_551 = arith.constant 16 : i32
      %mul3A_552 = arith.muli %scan3A_546, %mul3A_551 : i32
      %get3A = arith.index_cast %mul3A_552 : i32 to index
      %get3A_553 = tpu.vector_load %arg9[%get3A] {strides = array<i32>} : memref<512xi32, #tpu.memory_space<vmem>>, vector<16xi32>,
      %add3A_554 = arith.constant 2560 : i32
      %add3A_555 = vector.broadcast %add3A_554 : i32 to vector<16xi32>
      %add3A_556 = arith.addi %add3A_555, %add3A_550 : vector<16xi32>
      %gather3A = tpu.vector_load_idx %arg10[%add3A_556, %get3A_553] : memref<5120x8xf32, #tpu.memory_space<vmem>>[vector<16xi32>, vector<16xi32>], vector<16xf32>,
      %broadcast_in_dim3A = arith.constant 5 : i32
      %broadcast_in_dim3A_557 = vector.broadcast %broadcast_in_dim3A : i32 to vector<16xi32>
      tpu.vector_store_idx %arg11[%broadcast_in_dim3A_557, %add3A_550], %gather3A : memref<10x512xf32, #tpu.memory_space<vmem>>[vector<16xi32>, vector<16xi32>], vector<16xf32>,
    }
    %scan3A_293 = arith.constant 32 : i32
    %dma_start3A_294 = arith.constant 5 : i32
    %dma_start3A_295 = arith.constant 5 : i32
    %dma_start3A_296 = arith.constant 0 : i32
    %dma_start3A_297 = tpu.memref_slice %arg11[%dma_start3A_294, %dma_start3A_296] : memref<10x512xf32, #tpu.memory_space<vmem>> -> memref<1x512xf32, #tpu.memory_space<vmem>>
    %dma_start3A_298 = tpu.memref_squeeze %dma_start3A_297 : memref<1x512xf32, #tpu.memory_space<vmem>> -> memref<512xf32, #tpu.memory_space<vmem>>
    %dma_start3A_299 = tpu.memref_slice %arg6[%dma_start3A_295, %mul3A_2] : memref<10x16384xf32, #tpu.memory_space<hbm>> -> memref<1x512xf32, #tpu.memory_space<hbm>>
    %dma_start3A_300 = tpu.memref_squeeze %dma_start3A_299 : memref<1x512xf32, #tpu.memory_space<hbm>> -> memref<512xf32, #tpu.memory_space<hbm>>
    %dma_start3A_301 = tpu.memref_slice %arg6[%dma_start3A_295, %mul3A_2] : memref<10x16384xf32, #tpu.memory_space<hbm>> -> memref<1x512xf32, #tpu.memory_space<hbm>>
    %dma_start3A_302 = tpu.memref_squeeze %dma_start3A_301 : memref<1x512xf32, #tpu.memory_space<hbm>> -> memref<512xf32, #tpu.memory_space<hbm>>
    %dma_start3A_303 = arith.constant 0 : i32
    %dma_start3A_304 = tpu.memref_slice %arg11[%dma_start3A_294, %dma_start3A_303] : memref<10x512xf32, #tpu.memory_space<vmem>> -> memref<1x512xf32, #tpu.memory_space<vmem>>
    %dma_start3A_305 = tpu.memref_squeeze %dma_start3A_304 : memref<1x512xf32, #tpu.memory_space<vmem>> -> memref<512xf32, #tpu.memory_space<vmem>>
    tpu.enqueue_dma source(%dma_start3A_305 : memref<512xf32, #tpu.memory_space<vmem>>) target(%dma_start3A_302 : memref<512xf32, #tpu.memory_space<hbm>>) target_semaphore(%arg13 : memref<!tpu.dma_semaphore, #tpu.memory_space<semaphore_mem>>)
    %dma_wait3A_306 = arith.constant 6 : i32
    %dma_wait3A_307 = arith.constant 3072 : i32
    %dma_wait3A_308 = arith.constant 0 : i32
    %dma_wait3A_309 = tpu.memref_slice %arg10[%dma_wait3A_307, %dma_wait3A_308] : memref<5120x8xf32, #tpu.memory_space<vmem>> -> memref<512x8xf32, #tpu.memory_space<vmem>>
    %dma_wait3A_310 = arith.constant 25000 : i32
    %dma_wait3A_311 = arith.constant 0 : i32
    %dma_wait3A_312 = tpu.memref_slice %arg3[%dma_wait3A_310, %dma_wait3A_311] : memref<37500x8xf32, #tpu.memory_space<hbm>> -> memref<12500x8xf32, #tpu.memory_space<hbm>>
    %dma_wait3A_313 = arith.constant 0 : i32
    %dma_wait3A_314 = arith.constant 0 : i32
    %dma_wait3A_315 = tpu.memref_slice %dma_wait3A_312[%dma_wait3A_313, %dma_wait3A_314] : memref<12500x8xf32, #tpu.memory_space<hbm>> -> memref<12500x8xf32, #tpu.memory_space<hbm>>
    %dma_wait3A_316 = tpu.memref_slice %arg12[%dma_wait3A_306] : memref<10x!tpu.dma_semaphore, #tpu.memory_space<semaphore_mem>> -> memref<1x!tpu.dma_semaphore, #tpu.memory_space<semaphore_mem>>
    %dma_wait3A_317 = tpu.memref_squeeze %dma_wait3A_316 : memref<1x!tpu.dma_semaphore, #tpu.memory_space<semaphore_mem>> -> memref<!tpu.dma_semaphore, #tpu.memory_space<semaphore_mem>>
    tpu.wait_indirect_dma semaphore(%dma_wait3A_317 : memref<!tpu.dma_semaphore, #tpu.memory_space<semaphore_mem>>) src(%dma_wait3A_315 : memref<12500x8xf32, #tpu.memory_space<hbm>>) dst(%dma_wait3A_309 : memref<512x8xf32, #tpu.memory_space<vmem>>)
    %scan3A_318 = arith.constant 0 : i32
    %scan3A_319 = arith.constant 0 : i32
    %scan3A_320 = arith.constant 32 : i32
    %scan3A_321 = arith.addi %scan3A_319, %scan3A_320 : i32
    %scan3A_322 = arith.constant 1 : i32
    scf.for %scan3A_546 = %scan3A_319 to %scan3A_321 step %scan3A_322  : i32 {
      %mul3A_547 = arith.constant 16 : i32
      %mul3A_548 = arith.muli %scan3A_546, %mul3A_547 : i32
      %add3A_549 = vector.broadcast %mul3A_548 : i32 to vector<16xi32>
      %add3A_550 = arith.addi %add3A_549, %iota3A : vector<16xi32>
      %mul3A_551 = arith.constant 16 : i32
      %mul3A_552 = arith.muli %scan3A_546, %mul3A_551 : i32
      %get3A = arith.index_cast %mul3A_552 : i32 to index
      %get3A_553 = tpu.vector_load %arg9[%get3A] {strides = array<i32>} : memref<512xi32, #tpu.memory_space<vmem>>, vector<16xi32>,
      %add3A_554 = arith.constant 3072 : i32
      %add3A_555 = vector.broadcast %add3A_554 : i32 to vector<16xi32>
      %add3A_556 = arith.addi %add3A_555, %add3A_550 : vector<16xi32>
      %gather3A = tpu.vector_load_idx %arg10[%add3A_556, %get3A_553] : memref<5120x8xf32, #tpu.memory_space<vmem>>[vector<16xi32>, vector<16xi32>], vector<16xf32>,
      %broadcast_in_dim3A = arith.constant 6 : i32
      %broadcast_in_dim3A_557 = vector.broadcast %broadcast_in_dim3A : i32 to vector<16xi32>
      tpu.vector_store_idx %arg11[%broadcast_in_dim3A_557, %add3A_550], %gather3A : memref<10x512xf32, #tpu.memory_space<vmem>>[vector<16xi32>, vector<16xi32>], vector<16xf32>,
    }
    %scan3A_323 = arith.constant 32 : i32
    %dma_start3A_324 = arith.constant 6 : i32
    %dma_start3A_325 = arith.constant 6 : i32
    %dma_start3A_326 = arith.constant 0 : i32
    %dma_start3A_327 = tpu.memref_slice %arg11[%dma_start3A_324, %dma_start3A_326] : memref<10x512xf32, #tpu.memory_space<vmem>> -> memref<1x512xf32, #tpu.memory_space<vmem>>
    %dma_start3A_328 = tpu.memref_squeeze %dma_start3A_327 : memref<1x512xf32, #tpu.memory_space<vmem>> -> memref<512xf32, #tpu.memory_space<vmem>>
    %dma_start3A_329 = tpu.memref_slice %arg6[%dma_start3A_325, %mul3A_2] : memref<10x16384xf32, #tpu.memory_space<hbm>> -> memref<1x512xf32, #tpu.memory_space<hbm>>
    %dma_start3A_330 = tpu.memref_squeeze %dma_start3A_329 : memref<1x512xf32, #tpu.memory_space<hbm>> -> memref<512xf32, #tpu.memory_space<hbm>>
    %dma_start3A_331 = tpu.memref_slice %arg6[%dma_start3A_325, %mul3A_2] : memref<10x16384xf32, #tpu.memory_space<hbm>> -> memref<1x512xf32, #tpu.memory_space<hbm>>
    %dma_start3A_332 = tpu.memref_squeeze %dma_start3A_331 : memref<1x512xf32, #tpu.memory_space<hbm>> -> memref<512xf32, #tpu.memory_space<hbm>>
    %dma_start3A_333 = arith.constant 0 : i32
    %dma_start3A_334 = tpu.memref_slice %arg11[%dma_start3A_324, %dma_start3A_333] : memref<10x512xf32, #tpu.memory_space<vmem>> -> memref<1x512xf32, #tpu.memory_space<vmem>>
    %dma_start3A_335 = tpu.memref_squeeze %dma_start3A_334 : memref<1x512xf32, #tpu.memory_space<vmem>> -> memref<512xf32, #tpu.memory_space<vmem>>
    tpu.enqueue_dma source(%dma_start3A_335 : memref<512xf32, #tpu.memory_space<vmem>>) target(%dma_start3A_332 : memref<512xf32, #tpu.memory_space<hbm>>) target_semaphore(%arg13 : memref<!tpu.dma_semaphore, #tpu.memory_space<semaphore_mem>>)
    %dma_wait3A_336 = arith.constant 7 : i32
    %dma_wait3A_337 = arith.constant 3584 : i32
    %dma_wait3A_338 = arith.constant 0 : i32
    %dma_wait3A_339 = tpu.memref_slice %arg10[%dma_wait3A_337, %dma_wait3A_338] : memref<5120x8xf32, #tpu.memory_space<vmem>> -> memref<512x8xf32, #tpu.memory_space<vmem>>
    %dma_wait3A_340 = arith.constant 0 : i32
    %dma_wait3A_341 = arith.constant 0 : i32
    %dma_wait3A_342 = tpu.memref_slice %arg4[%dma_wait3A_340, %dma_wait3A_341] : memref<37500x8xf32, #tpu.memory_space<hbm>> -> memref<12500x8xf32, #tpu.memory_space<hbm>>
    %dma_wait3A_343 = arith.constant 0 : i32
    %dma_wait3A_344 = arith.constant 0 : i32
    %dma_wait3A_345 = tpu.memref_slice %dma_wait3A_342[%dma_wait3A_343, %dma_wait3A_344] : memref<12500x8xf32, #tpu.memory_space<hbm>> -> memref<12500x8xf32, #tpu.memory_space<hbm>>
    %dma_wait3A_346 = tpu.memref_slice %arg12[%dma_wait3A_336] : memref<10x!tpu.dma_semaphore, #tpu.memory_space<semaphore_mem>> -> memref<1x!tpu.dma_semaphore, #tpu.memory_space<semaphore_mem>>
    %dma_wait3A_347 = tpu.memref_squeeze %dma_wait3A_346 : memref<1x!tpu.dma_semaphore, #tpu.memory_space<semaphore_mem>> -> memref<!tpu.dma_semaphore, #tpu.memory_space<semaphore_mem>>
    tpu.wait_indirect_dma semaphore(%dma_wait3A_347 : memref<!tpu.dma_semaphore, #tpu.memory_space<semaphore_mem>>) src(%dma_wait3A_345 : memref<12500x8xf32, #tpu.memory_space<hbm>>) dst(%dma_wait3A_339 : memref<512x8xf32, #tpu.memory_space<vmem>>)
    %scan3A_348 = arith.constant 0 : i32
    %scan3A_349 = arith.constant 0 : i32
    %scan3A_350 = arith.constant 32 : i32
    %scan3A_351 = arith.addi %scan3A_349, %scan3A_350 : i32
    %scan3A_352 = arith.constant 1 : i32
    scf.for %scan3A_546 = %scan3A_349 to %scan3A_351 step %scan3A_352  : i32 {
      %mul3A_547 = arith.constant 16 : i32
      %mul3A_548 = arith.muli %scan3A_546, %mul3A_547 : i32
      %add3A_549 = vector.broadcast %mul3A_548 : i32 to vector<16xi32>
      %add3A_550 = arith.addi %add3A_549, %iota3A : vector<16xi32>
      %mul3A_551 = arith.constant 16 : i32
      %mul3A_552 = arith.muli %scan3A_546, %mul3A_551 : i32
      %get3A = arith.index_cast %mul3A_552 : i32 to index
      %get3A_553 = tpu.vector_load %arg9[%get3A] {strides = array<i32>} : memref<512xi32, #tpu.memory_space<vmem>>, vector<16xi32>,
      %add3A_554 = arith.constant 3584 : i32
      %add3A_555 = vector.broadcast %add3A_554 : i32 to vector<16xi32>
      %add3A_556 = arith.addi %add3A_555, %add3A_550 : vector<16xi32>
      %gather3A = tpu.vector_load_idx %arg10[%add3A_556, %get3A_553] : memref<5120x8xf32, #tpu.memory_space<vmem>>[vector<16xi32>, vector<16xi32>], vector<16xf32>,
      %broadcast_in_dim3A = arith.constant 7 : i32
      %broadcast_in_dim3A_557 = vector.broadcast %broadcast_in_dim3A : i32 to vector<16xi32>
      tpu.vector_store_idx %arg11[%broadcast_in_dim3A_557, %add3A_550], %gather3A : memref<10x512xf32, #tpu.memory_space<vmem>>[vector<16xi32>, vector<16xi32>], vector<16xf32>,
    }
    %scan3A_353 = arith.constant 32 : i32
    %dma_start3A_354 = arith.constant 7 : i32
    %dma_start3A_355 = arith.constant 7 : i32
    %dma_start3A_356 = arith.constant 0 : i32
    %dma_start3A_357 = tpu.memref_slice %arg11[%dma_start3A_354, %dma_start3A_356] : memref<10x512xf32, #tpu.memory_space<vmem>> -> memref<1x512xf32, #tpu.memory_space<vmem>>
    %dma_start3A_358 = tpu.memref_squeeze %dma_start3A_357 : memref<1x512xf32, #tpu.memory_space<vmem>> -> memref<512xf32, #tpu.memory_space<vmem>>
    %dma_start3A_359 = tpu.memref_slice %arg6[%dma_start3A_355, %mul3A_2] : memref<10x16384xf32, #tpu.memory_space<hbm>> -> memref<1x512xf32, #tpu.memory_space<hbm>>
    %dma_start3A_360 = tpu.memref_squeeze %dma_start3A_359 : memref<1x512xf32, #tpu.memory_space<hbm>> -> memref<512xf32, #tpu.memory_space<hbm>>
    %dma_start3A_361 = tpu.memref_slice %arg6[%dma_start3A_355, %mul3A_2] : memref<10x16384xf32, #tpu.memory_space<hbm>> -> memref<1x512xf32, #tpu.memory_space<hbm>>
    %dma_start3A_362 = tpu.memref_squeeze %dma_start3A_361 : memref<1x512xf32, #tpu.memory_space<hbm>> -> memref<512xf32, #tpu.memory_space<hbm>>
    %dma_start3A_363 = arith.constant 0 : i32
    %dma_start3A_364 = tpu.memref_slice %arg11[%dma_start3A_354, %dma_start3A_363] : memref<10x512xf32, #tpu.memory_space<vmem>> -> memref<1x512xf32, #tpu.memory_space<vmem>>
    %dma_start3A_365 = tpu.memref_squeeze %dma_start3A_364 : memref<1x512xf32, #tpu.memory_space<vmem>> -> memref<512xf32, #tpu.memory_space<vmem>>
    tpu.enqueue_dma source(%dma_start3A_365 : memref<512xf32, #tpu.memory_space<vmem>>) target(%dma_start3A_362 : memref<512xf32, #tpu.memory_space<hbm>>) target_semaphore(%arg13 : memref<!tpu.dma_semaphore, #tpu.memory_space<semaphore_mem>>)
    %dma_wait3A_366 = arith.constant 8 : i32
    %dma_wait3A_367 = arith.constant 4096 : i32
    %dma_wait3A_368 = arith.constant 0 : i32
    %dma_wait3A_369 = tpu.memref_slice %arg10[%dma_wait3A_367, %dma_wait3A_368] : memref<5120x8xf32, #tpu.memory_space<vmem>> -> memref<512x8xf32, #tpu.memory_space<vmem>>
    %dma_wait3A_370 = arith.constant 12500 : i32
    %dma_wait3A_371 = arith.constant 0 : i32
    %dma_wait3A_372 = tpu.memref_slice %arg4[%dma_wait3A_370, %dma_wait3A_371] : memref<37500x8xf32, #tpu.memory_space<hbm>> -> memref<12500x8xf32, #tpu.memory_space<hbm>>
    %dma_wait3A_373 = arith.constant 0 : i32
    %dma_wait3A_374 = arith.constant 0 : i32
    %dma_wait3A_375 = tpu.memref_slice %dma_wait3A_372[%dma_wait3A_373, %dma_wait3A_374] : memref<12500x8xf32, #tpu.memory_space<hbm>> -> memref<12500x8xf32, #tpu.memory_space<hbm>>
    %dma_wait3A_376 = tpu.memref_slice %arg12[%dma_wait3A_366] : memref<10x!tpu.dma_semaphore, #tpu.memory_space<semaphore_mem>> -> memref<1x!tpu.dma_semaphore, #tpu.memory_space<semaphore_mem>>
    %dma_wait3A_377 = tpu.memref_squeeze %dma_wait3A_376 : memref<1x!tpu.dma_semaphore, #tpu.memory_space<semaphore_mem>> -> memref<!tpu.dma_semaphore, #tpu.memory_space<semaphore_mem>>
    tpu.wait_indirect_dma semaphore(%dma_wait3A_377 : memref<!tpu.dma_semaphore, #tpu.memory_space<semaphore_mem>>) src(%dma_wait3A_375 : memref<12500x8xf32, #tpu.memory_space<hbm>>) dst(%dma_wait3A_369 : memref<512x8xf32, #tpu.memory_space<vmem>>)
    %scan3A_378 = arith.constant 0 : i32
    %scan3A_379 = arith.constant 0 : i32
    %scan3A_380 = arith.constant 32 : i32
    %scan3A_381 = arith.addi %scan3A_379, %scan3A_380 : i32
    %scan3A_382 = arith.constant 1 : i32
    scf.for %scan3A_546 = %scan3A_379 to %scan3A_381 step %scan3A_382  : i32 {
      %mul3A_547 = arith.constant 16 : i32
      %mul3A_548 = arith.muli %scan3A_546, %mul3A_547 : i32
      %add3A_549 = vector.broadcast %mul3A_548 : i32 to vector<16xi32>
      %add3A_550 = arith.addi %add3A_549, %iota3A : vector<16xi32>
      %mul3A_551 = arith.constant 16 : i32
      %mul3A_552 = arith.muli %scan3A_546, %mul3A_551 : i32
      %get3A = arith.index_cast %mul3A_552 : i32 to index
      %get3A_553 = tpu.vector_load %arg9[%get3A] {strides = array<i32>} : memref<512xi32, #tpu.memory_space<vmem>>, vector<16xi32>,
      %add3A_554 = arith.constant 4096 : i32
      %add3A_555 = vector.broadcast %add3A_554 : i32 to vector<16xi32>
      %add3A_556 = arith.addi %add3A_555, %add3A_550 : vector<16xi32>
      %gather3A = tpu.vector_load_idx %arg10[%add3A_556, %get3A_553] : memref<5120x8xf32, #tpu.memory_space<vmem>>[vector<16xi32>, vector<16xi32>], vector<16xf32>,
      %broadcast_in_dim3A = arith.constant 8 : i32
      %broadcast_in_dim3A_557 = vector.broadcast %broadcast_in_dim3A : i32 to vector<16xi32>
      tpu.vector_store_idx %arg11[%broadcast_in_dim3A_557, %add3A_550], %gather3A : memref<10x512xf32, #tpu.memory_space<vmem>>[vector<16xi32>, vector<16xi32>], vector<16xf32>,
    }
    %scan3A_383 = arith.constant 32 : i32
    %dma_start3A_384 = arith.constant 8 : i32
    %dma_start3A_385 = arith.constant 8 : i32
    %dma_start3A_386 = arith.constant 0 : i32
    %dma_start3A_387 = tpu.memref_slice %arg11[%dma_start3A_384, %dma_start3A_386] : memref<10x512xf32, #tpu.memory_space<vmem>> -> memref<1x512xf32, #tpu.memory_space<vmem>>
    %dma_start3A_388 = tpu.memref_squeeze %dma_start3A_387 : memref<1x512xf32, #tpu.memory_space<vmem>> -> memref<512xf32, #tpu.memory_space<vmem>>
    %dma_start3A_389 = tpu.memref_slice %arg6[%dma_start3A_385, %mul3A_2] : memref<10x16384xf32, #tpu.memory_space<hbm>> -> memref<1x512xf32, #tpu.memory_space<hbm>>
    %dma_start3A_390 = tpu.memref_squeeze %dma_start3A_389 : memref<1x512xf32, #tpu.memory_space<hbm>> -> memref<512xf32, #tpu.memory_space<hbm>>
    %dma_start3A_391 = tpu.memref_slice %arg6[%dma_start3A_385, %mul3A_2] : memref<10x16384xf32, #tpu.memory_space<hbm>> -> memref<1x512xf32, #tpu.memory_space<hbm>>
    %dma_start3A_392 = tpu.memref_squeeze %dma_start3A_391 : memref<1x512xf32, #tpu.memory_space<hbm>> -> memref<512xf32, #tpu.memory_space<hbm>>
    %dma_start3A_393 = arith.constant 0 : i32
    %dma_start3A_394 = tpu.memref_slice %arg11[%dma_start3A_384, %dma_start3A_393] : memref<10x512xf32, #tpu.memory_space<vmem>> -> memref<1x512xf32, #tpu.memory_space<vmem>>
    %dma_start3A_395 = tpu.memref_squeeze %dma_start3A_394 : memref<1x512xf32, #tpu.memory_space<vmem>> -> memref<512xf32, #tpu.memory_space<vmem>>
    tpu.enqueue_dma source(%dma_start3A_395 : memref<512xf32, #tpu.memory_space<vmem>>) target(%dma_start3A_392 : memref<512xf32, #tpu.memory_space<hbm>>) target_semaphore(%arg13 : memref<!tpu.dma_semaphore, #tpu.memory_space<semaphore_mem>>)
    %dma_wait3A_396 = arith.constant 9 : i32
    %dma_wait3A_397 = arith.constant 4608 : i32
    %dma_wait3A_398 = arith.constant 0 : i32
    %dma_wait3A_399 = tpu.memref_slice %arg10[%dma_wait3A_397, %dma_wait3A_398] : memref<5120x8xf32, #tpu.memory_space<vmem>> -> memref<512x8xf32, #tpu.memory_space<vmem>>
    %dma_wait3A_400 = arith.constant 25000 : i32
    %dma_wait3A_401 = arith.constant 0 : i32
    %dma_wait3A_402 = tpu.memref_slice %arg4[%dma_wait3A_400, %dma_wait3A_401] : memref<37500x8xf32, #tpu.memory_space<hbm>> -> memref<12500x8xf32, #tpu.memory_space<hbm>>
    %dma_wait3A_403 = arith.constant 0 : i32
    %dma_wait3A_404 = arith.constant 0 : i32
    %dma_wait3A_405 = tpu.memref_slice %dma_wait3A_402[%dma_wait3A_403, %dma_wait3A_404] : memref<12500x8xf32, #tpu.memory_space<hbm>> -> memref<12500x8xf32, #tpu.memory_space<hbm>>
    %dma_wait3A_406 = tpu.memref_slice %arg12[%dma_wait3A_396] : memref<10x!tpu.dma_semaphore, #tpu.memory_space<semaphore_mem>> -> memref<1x!tpu.dma_semaphore, #tpu.memory_space<semaphore_mem>>
    %dma_wait3A_407 = tpu.memref_squeeze %dma_wait3A_406 : memref<1x!tpu.dma_semaphore, #tpu.memory_space<semaphore_mem>> -> memref<!tpu.dma_semaphore, #tpu.memory_space<semaphore_mem>>
    tpu.wait_indirect_dma semaphore(%dma_wait3A_407 : memref<!tpu.dma_semaphore, #tpu.memory_space<semaphore_mem>>) src(%dma_wait3A_405 : memref<12500x8xf32, #tpu.memory_space<hbm>>) dst(%dma_wait3A_399 : memref<512x8xf32, #tpu.memory_space<vmem>>)
    %scan3A_408 = arith.constant 0 : i32
    %scan3A_409 = arith.constant 0 : i32
    %scan3A_410 = arith.constant 32 : i32
    %scan3A_411 = arith.addi %scan3A_409, %scan3A_410 : i32
    %scan3A_412 = arith.constant 1 : i32
    scf.for %scan3A_546 = %scan3A_409 to %scan3A_411 step %scan3A_412  : i32 {
      %mul3A_547 = arith.constant 16 : i32
      %mul3A_548 = arith.muli %scan3A_546, %mul3A_547 : i32
      %add3A_549 = vector.broadcast %mul3A_548 : i32 to vector<16xi32>
      %add3A_550 = arith.addi %add3A_549, %iota3A : vector<16xi32>
      %mul3A_551 = arith.constant 16 : i32
      %mul3A_552 = arith.muli %scan3A_546, %mul3A_551 : i32
      %get3A = arith.index_cast %mul3A_552 : i32 to index
      %get3A_553 = tpu.vector_load %arg9[%get3A] {strides = array<i32>} : memref<512xi32, #tpu.memory_space<vmem>>, vector<16xi32>,
      %add3A_554 = arith.constant 4608 : i32
      %add3A_555 = vector.broadcast %add3A_554 : i32 to vector<16xi32>
      %add3A_556 = arith.addi %add3A_555, %add3A_550 : vector<16xi32>
      %gather3A = tpu.vector_load_idx %arg10[%add3A_556, %get3A_553] : memref<5120x8xf32, #tpu.memory_space<vmem>>[vector<16xi32>, vector<16xi32>], vector<16xf32>,
      %broadcast_in_dim3A = arith.constant 9 : i32
      %broadcast_in_dim3A_557 = vector.broadcast %broadcast_in_dim3A : i32 to vector<16xi32>
      tpu.vector_store_idx %arg11[%broadcast_in_dim3A_557, %add3A_550], %gather3A : memref<10x512xf32, #tpu.memory_space<vmem>>[vector<16xi32>, vector<16xi32>], vector<16xf32>,
    }
    %scan3A_413 = arith.constant 32 : i32
    %dma_start3A_414 = arith.constant 9 : i32
    %dma_start3A_415 = arith.constant 9 : i32
    %dma_start3A_416 = arith.constant 0 : i32
    %dma_start3A_417 = tpu.memref_slice %arg11[%dma_start3A_414, %dma_start3A_416] : memref<10x512xf32, #tpu.memory_space<vmem>> -> memref<1x512xf32, #tpu.memory_space<vmem>>
    %dma_start3A_418 = tpu.memref_squeeze %dma_start3A_417 : memref<1x512xf32, #tpu.memory_space<vmem>> -> memref<512xf32, #tpu.memory_space<vmem>>
    %dma_start3A_419 = tpu.memref_slice %arg6[%dma_start3A_415, %mul3A_2] : memref<10x16384xf32, #tpu.memory_space<hbm>> -> memref<1x512xf32, #tpu.memory_space<hbm>>
    %dma_start3A_420 = tpu.memref_squeeze %dma_start3A_419 : memref<1x512xf32, #tpu.memory_space<hbm>> -> memref<512xf32, #tpu.memory_space<hbm>>
    %dma_start3A_421 = tpu.memref_slice %arg6[%dma_start3A_415, %mul3A_2] : memref<10x16384xf32, #tpu.memory_space<hbm>> -> memref<1x512xf32, #tpu.memory_space<hbm>>
    %dma_start3A_422 = tpu.memref_squeeze %dma_start3A_421 : memref<1x512xf32, #tpu.memory_space<hbm>> -> memref<512xf32, #tpu.memory_space<hbm>>
    %dma_start3A_423 = arith.constant 0 : i32
    %dma_start3A_424 = tpu.memref_slice %arg11[%dma_start3A_414, %dma_start3A_423] : memref<10x512xf32, #tpu.memory_space<vmem>> -> memref<1x512xf32, #tpu.memory_space<vmem>>
    %dma_start3A_425 = tpu.memref_squeeze %dma_start3A_424 : memref<1x512xf32, #tpu.memory_space<vmem>> -> memref<512xf32, #tpu.memory_space<vmem>>
    tpu.enqueue_dma source(%dma_start3A_425 : memref<512xf32, #tpu.memory_space<vmem>>) target(%dma_start3A_422 : memref<512xf32, #tpu.memory_space<hbm>>) target_semaphore(%arg13 : memref<!tpu.dma_semaphore, #tpu.memory_space<semaphore_mem>>)
    %dma_wait3A_426 = arith.constant 0 : i32
    %dma_wait3A_427 = arith.constant 0 : i32
    %dma_wait3A_428 = arith.constant 0 : i32
    %dma_wait3A_429 = tpu.memref_slice %arg11[%dma_wait3A_426, %dma_wait3A_428] : memref<10x512xf32, #tpu.memory_space<vmem>> -> memref<1x512xf32, #tpu.memory_space<vmem>>
    %dma_wait3A_430 = tpu.memref_squeeze %dma_wait3A_429 : memref<1x512xf32, #tpu.memory_space<vmem>> -> memref<512xf32, #tpu.memory_space<vmem>>
    %dma_wait3A_431 = tpu.memref_slice %arg6[%dma_wait3A_427, %mul3A_2] : memref<10x16384xf32, #tpu.memory_space<hbm>> -> memref<1x512xf32, #tpu.memory_space<hbm>>
    %dma_wait3A_432 = tpu.memref_squeeze %dma_wait3A_431 : memref<1x512xf32, #tpu.memory_space<hbm>> -> memref<512xf32, #tpu.memory_space<hbm>>
    %dma_wait3A_433 = tpu.memref_slice %arg6[%dma_wait3A_427, %mul3A_2] : memref<10x16384xf32, #tpu.memory_space<hbm>> -> memref<1x512xf32, #tpu.memory_space<hbm>>
    %dma_wait3A_434 = tpu.memref_squeeze %dma_wait3A_433 : memref<1x512xf32, #tpu.memory_space<hbm>> -> memref<512xf32, #tpu.memory_space<hbm>>
    %dma_wait3A_435 = arith.constant 0 : i32
    %dma_wait3A_436 = tpu.memref_slice %arg11[%dma_wait3A_426, %dma_wait3A_435] : memref<10x512xf32, #tpu.memory_space<vmem>> -> memref<1x512xf32, #tpu.memory_space<vmem>>
    %dma_wait3A_437 = tpu.memref_squeeze %dma_wait3A_436 : memref<1x512xf32, #tpu.memory_space<vmem>> -> memref<512xf32, #tpu.memory_space<vmem>>
    tpu.wait_dma2 semaphore(%arg13 : memref<!tpu.dma_semaphore, #tpu.memory_space<semaphore_mem>>) src(%dma_wait3A_437 : memref<512xf32, #tpu.memory_space<vmem>>) dst(%dma_wait3A_434 : memref<512xf32, #tpu.memory_space<hbm>>)
    %dma_wait3A_438 = arith.constant 1 : i32
    %dma_wait3A_439 = arith.constant 1 : i32
    %dma_wait3A_440 = arith.constant 0 : i32
    %dma_wait3A_441 = tpu.memref_slice %arg11[%dma_wait3A_438, %dma_wait3A_440] : memref<10x512xf32, #tpu.memory_space<vmem>> -> memref<1x512xf32, #tpu.memory_space<vmem>>
    %dma_wait3A_442 = tpu.memref_squeeze %dma_wait3A_441 : memref<1x512xf32, #tpu.memory_space<vmem>> -> memref<512xf32, #tpu.memory_space<vmem>>
    %dma_wait3A_443 = tpu.memref_slice %arg6[%dma_wait3A_439, %mul3A_2] : memref<10x16384xf32, #tpu.memory_space<hbm>> -> memref<1x512xf32, #tpu.memory_space<hbm>>
    %dma_wait3A_444 = tpu.memref_squeeze %dma_wait3A_443 : memref<1x512xf32, #tpu.memory_space<hbm>> -> memref<512xf32, #tpu.memory_space<hbm>>
    %dma_wait3A_445 = tpu.memref_slice %arg6[%dma_wait3A_439, %mul3A_2] : memref<10x16384xf32, #tpu.memory_space<hbm>> -> memref<1x512xf32, #tpu.memory_space<hbm>>
    %dma_wait3A_446 = tpu.memref_squeeze %dma_wait3A_445 : memref<1x512xf32, #tpu.memory_space<hbm>> -> memref<512xf32, #tpu.memory_space<hbm>>
    %dma_wait3A_447 = arith.constant 0 : i32
    %dma_wait3A_448 = tpu.memref_slice %arg11[%dma_wait3A_438, %dma_wait3A_447] : memref<10x512xf32, #tpu.memory_space<vmem>> -> memref<1x512xf32, #tpu.memory_space<vmem>>
    %dma_wait3A_449 = tpu.memref_squeeze %dma_wait3A_448 : memref<1x512xf32, #tpu.memory_space<vmem>> -> memref<512xf32, #tpu.memory_space<vmem>>
    tpu.wait_dma2 semaphore(%arg13 : memref<!tpu.dma_semaphore, #tpu.memory_space<semaphore_mem>>) src(%dma_wait3A_449 : memref<512xf32, #tpu.memory_space<vmem>>) dst(%dma_wait3A_446 : memref<512xf32, #tpu.memory_space<hbm>>)
    %dma_wait3A_450 = arith.constant 2 : i32
    %dma_wait3A_451 = arith.constant 2 : i32
    %dma_wait3A_452 = arith.constant 0 : i32
    %dma_wait3A_453 = tpu.memref_slice %arg11[%dma_wait3A_450, %dma_wait3A_452] : memref<10x512xf32, #tpu.memory_space<vmem>> -> memref<1x512xf32, #tpu.memory_space<vmem>>
    %dma_wait3A_454 = tpu.memref_squeeze %dma_wait3A_453 : memref<1x512xf32, #tpu.memory_space<vmem>> -> memref<512xf32, #tpu.memory_space<vmem>>
    %dma_wait3A_455 = tpu.memref_slice %arg6[%dma_wait3A_451, %mul3A_2] : memref<10x16384xf32, #tpu.memory_space<hbm>> -> memref<1x512xf32, #tpu.memory_space<hbm>>
    %dma_wait3A_456 = tpu.memref_squeeze %dma_wait3A_455 : memref<1x512xf32, #tpu.memory_space<hbm>> -> memref<512xf32, #tpu.memory_space<hbm>>
    %dma_wait3A_457 = tpu.memref_slice %arg6[%dma_wait3A_451, %mul3A_2] : memref<10x16384xf32, #tpu.memory_space<hbm>> -> memref<1x512xf32, #tpu.memory_space<hbm>>
    %dma_wait3A_458 = tpu.memref_squeeze %dma_wait3A_457 : memref<1x512xf32, #tpu.memory_space<hbm>> -> memref<512xf32, #tpu.memory_space<hbm>>
    %dma_wait3A_459 = arith.constant 0 : i32
    %dma_wait3A_460 = tpu.memref_slice %arg11[%dma_wait3A_450, %dma_wait3A_459] : memref<10x512xf32, #tpu.memory_space<vmem>> -> memref<1x512xf32, #tpu.memory_space<vmem>>
    %dma_wait3A_461 = tpu.memref_squeeze %dma_wait3A_460 : memref<1x512xf32, #tpu.memory_space<vmem>> -> memref<512xf32, #tpu.memory_space<vmem>>
    tpu.wait_dma2 semaphore(%arg13 : memref<!tpu.dma_semaphore, #tpu.memory_space<semaphore_mem>>) src(%dma_wait3A_461 : memref<512xf32, #tpu.memory_space<vmem>>) dst(%dma_wait3A_458 : memref<512xf32, #tpu.memory_space<hbm>>)
    %dma_wait3A_462 = arith.constant 3 : i32
    %dma_wait3A_463 = arith.constant 3 : i32
    %dma_wait3A_464 = arith.constant 0 : i32
    %dma_wait3A_465 = tpu.memref_slice %arg11[%dma_wait3A_462, %dma_wait3A_464] : memref<10x512xf32, #tpu.memory_space<vmem>> -> memref<1x512xf32, #tpu.memory_space<vmem>>
    %dma_wait3A_466 = tpu.memref_squeeze %dma_wait3A_465 : memref<1x512xf32, #tpu.memory_space<vmem>> -> memref<512xf32, #tpu.memory_space<vmem>>
    %dma_wait3A_467 = tpu.memref_slice %arg6[%dma_wait3A_463, %mul3A_2] : memref<10x16384xf32, #tpu.memory_space<hbm>> -> memref<1x512xf32, #tpu.memory_space<hbm>>
    %dma_wait3A_468 = tpu.memref_squeeze %dma_wait3A_467 : memref<1x512xf32, #tpu.memory_space<hbm>> -> memref<512xf32, #tpu.memory_space<hbm>>
    %dma_wait3A_469 = tpu.memref_slice %arg6[%dma_wait3A_463, %mul3A_2] : memref<10x16384xf32, #tpu.memory_space<hbm>> -> memref<1x512xf32, #tpu.memory_space<hbm>>
    %dma_wait3A_470 = tpu.memref_squeeze %dma_wait3A_469 : memref<1x512xf32, #tpu.memory_space<hbm>> -> memref<512xf32, #tpu.memory_space<hbm>>
    %dma_wait3A_471 = arith.constant 0 : i32
    %dma_wait3A_472 = tpu.memref_slice %arg11[%dma_wait3A_462, %dma_wait3A_471] : memref<10x512xf32, #tpu.memory_space<vmem>> -> memref<1x512xf32, #tpu.memory_space<vmem>>
    %dma_wait3A_473 = tpu.memref_squeeze %dma_wait3A_472 : memref<1x512xf32, #tpu.memory_space<vmem>> -> memref<512xf32, #tpu.memory_space<vmem>>
    tpu.wait_dma2 semaphore(%arg13 : memref<!tpu.dma_semaphore, #tpu.memory_space<semaphore_mem>>) src(%dma_wait3A_473 : memref<512xf32, #tpu.memory_space<vmem>>) dst(%dma_wait3A_470 : memref<512xf32, #tpu.memory_space<hbm>>)
    %dma_wait3A_474 = arith.constant 4 : i32
    %dma_wait3A_475 = arith.constant 4 : i32
    %dma_wait3A_476 = arith.constant 0 : i32
    %dma_wait3A_477 = tpu.memref_slice %arg11[%dma_wait3A_474, %dma_wait3A_476] : memref<10x512xf32, #tpu.memory_space<vmem>> -> memref<1x512xf32, #tpu.memory_space<vmem>>
    %dma_wait3A_478 = tpu.memref_squeeze %dma_wait3A_477 : memref<1x512xf32, #tpu.memory_space<vmem>> -> memref<512xf32, #tpu.memory_space<vmem>>
    %dma_wait3A_479 = tpu.memref_slice %arg6[%dma_wait3A_475, %mul3A_2] : memref<10x16384xf32, #tpu.memory_space<hbm>> -> memref<1x512xf32, #tpu.memory_space<hbm>>
    %dma_wait3A_480 = tpu.memref_squeeze %dma_wait3A_479 : memref<1x512xf32, #tpu.memory_space<hbm>> -> memref<512xf32, #tpu.memory_space<hbm>>
    %dma_wait3A_481 = tpu.memref_slice %arg6[%dma_wait3A_475, %mul3A_2] : memref<10x16384xf32, #tpu.memory_space<hbm>> -> memref<1x512xf32, #tpu.memory_space<hbm>>
    %dma_wait3A_482 = tpu.memref_squeeze %dma_wait3A_481 : memref<1x512xf32, #tpu.memory_space<hbm>> -> memref<512xf32, #tpu.memory_space<hbm>>
    %dma_wait3A_483 = arith.constant 0 : i32
    %dma_wait3A_484 = tpu.memref_slice %arg11[%dma_wait3A_474, %dma_wait3A_483] : memref<10x512xf32, #tpu.memory_space<vmem>> -> memref<1x512xf32, #tpu.memory_space<vmem>>
    %dma_wait3A_485 = tpu.memref_squeeze %dma_wait3A_484 : memref<1x512xf32, #tpu.memory_space<vmem>> -> memref<512xf32, #tpu.memory_space<vmem>>
    tpu.wait_dma2 semaphore(%arg13 : memref<!tpu.dma_semaphore, #tpu.memory_space<semaphore_mem>>) src(%dma_wait3A_485 : memref<512xf32, #tpu.memory_space<vmem>>) dst(%dma_wait3A_482 : memref<512xf32, #tpu.memory_space<hbm>>)
    %dma_wait3A_486 = arith.constant 5 : i32
    %dma_wait3A_487 = arith.constant 5 : i32
    %dma_wait3A_488 = arith.constant 0 : i32
    %dma_wait3A_489 = tpu.memref_slice %arg11[%dma_wait3A_486, %dma_wait3A_488] : memref<10x512xf32, #tpu.memory_space<vmem>> -> memref<1x512xf32, #tpu.memory_space<vmem>>
    %dma_wait3A_490 = tpu.memref_squeeze %dma_wait3A_489 : memref<1x512xf32, #tpu.memory_space<vmem>> -> memref<512xf32, #tpu.memory_space<vmem>>
    %dma_wait3A_491 = tpu.memref_slice %arg6[%dma_wait3A_487, %mul3A_2] : memref<10x16384xf32, #tpu.memory_space<hbm>> -> memref<1x512xf32, #tpu.memory_space<hbm>>
    %dma_wait3A_492 = tpu.memref_squeeze %dma_wait3A_491 : memref<1x512xf32, #tpu.memory_space<hbm>> -> memref<512xf32, #tpu.memory_space<hbm>>
    %dma_wait3A_493 = tpu.memref_slice %arg6[%dma_wait3A_487, %mul3A_2] : memref<10x16384xf32, #tpu.memory_space<hbm>> -> memref<1x512xf32, #tpu.memory_space<hbm>>
    %dma_wait3A_494 = tpu.memref_squeeze %dma_wait3A_493 : memref<1x512xf32, #tpu.memory_space<hbm>> -> memref<512xf32, #tpu.memory_space<hbm>>
    %dma_wait3A_495 = arith.constant 0 : i32
    %dma_wait3A_496 = tpu.memref_slice %arg11[%dma_wait3A_486, %dma_wait3A_495] : memref<10x512xf32, #tpu.memory_space<vmem>> -> memref<1x512xf32, #tpu.memory_space<vmem>>
    %dma_wait3A_497 = tpu.memref_squeeze %dma_wait3A_496 : memref<1x512xf32, #tpu.memory_space<vmem>> -> memref<512xf32, #tpu.memory_space<vmem>>
    tpu.wait_dma2 semaphore(%arg13 : memref<!tpu.dma_semaphore, #tpu.memory_space<semaphore_mem>>) src(%dma_wait3A_497 : memref<512xf32, #tpu.memory_space<vmem>>) dst(%dma_wait3A_494 : memref<512xf32, #tpu.memory_space<hbm>>)
    %dma_wait3A_498 = arith.constant 6 : i32
    %dma_wait3A_499 = arith.constant 6 : i32
    %dma_wait3A_500 = arith.constant 0 : i32
    %dma_wait3A_501 = tpu.memref_slice %arg11[%dma_wait3A_498, %dma_wait3A_500] : memref<10x512xf32, #tpu.memory_space<vmem>> -> memref<1x512xf32, #tpu.memory_space<vmem>>
    %dma_wait3A_502 = tpu.memref_squeeze %dma_wait3A_501 : memref<1x512xf32, #tpu.memory_space<vmem>> -> memref<512xf32, #tpu.memory_space<vmem>>
    %dma_wait3A_503 = tpu.memref_slice %arg6[%dma_wait3A_499, %mul3A_2] : memref<10x16384xf32, #tpu.memory_space<hbm>> -> memref<1x512xf32, #tpu.memory_space<hbm>>
    %dma_wait3A_504 = tpu.memref_squeeze %dma_wait3A_503 : memref<1x512xf32, #tpu.memory_space<hbm>> -> memref<512xf32, #tpu.memory_space<hbm>>
    %dma_wait3A_505 = tpu.memref_slice %arg6[%dma_wait3A_499, %mul3A_2] : memref<10x16384xf32, #tpu.memory_space<hbm>> -> memref<1x512xf32, #tpu.memory_space<hbm>>
    %dma_wait3A_506 = tpu.memref_squeeze %dma_wait3A_505 : memref<1x512xf32, #tpu.memory_space<hbm>> -> memref<512xf32, #tpu.memory_space<hbm>>
    %dma_wait3A_507 = arith.constant 0 : i32
    %dma_wait3A_508 = tpu.memref_slice %arg11[%dma_wait3A_498, %dma_wait3A_507] : memref<10x512xf32, #tpu.memory_space<vmem>> -> memref<1x512xf32, #tpu.memory_space<vmem>>
    %dma_wait3A_509 = tpu.memref_squeeze %dma_wait3A_508 : memref<1x512xf32, #tpu.memory_space<vmem>> -> memref<512xf32, #tpu.memory_space<vmem>>
    tpu.wait_dma2 semaphore(%arg13 : memref<!tpu.dma_semaphore, #tpu.memory_space<semaphore_mem>>) src(%dma_wait3A_509 : memref<512xf32, #tpu.memory_space<vmem>>) dst(%dma_wait3A_506 : memref<512xf32, #tpu.memory_space<hbm>>)
    %dma_wait3A_510 = arith.constant 7 : i32
    %dma_wait3A_511 = arith.constant 7 : i32
    %dma_wait3A_512 = arith.constant 0 : i32
    %dma_wait3A_513 = tpu.memref_slice %arg11[%dma_wait3A_510, %dma_wait3A_512] : memref<10x512xf32, #tpu.memory_space<vmem>> -> memref<1x512xf32, #tpu.memory_space<vmem>>
    %dma_wait3A_514 = tpu.memref_squeeze %dma_wait3A_513 : memref<1x512xf32, #tpu.memory_space<vmem>> -> memref<512xf32, #tpu.memory_space<vmem>>
    %dma_wait3A_515 = tpu.memref_slice %arg6[%dma_wait3A_511, %mul3A_2] : memref<10x16384xf32, #tpu.memory_space<hbm>> -> memref<1x512xf32, #tpu.memory_space<hbm>>
    %dma_wait3A_516 = tpu.memref_squeeze %dma_wait3A_515 : memref<1x512xf32, #tpu.memory_space<hbm>> -> memref<512xf32, #tpu.memory_space<hbm>>
    %dma_wait3A_517 = tpu.memref_slice %arg6[%dma_wait3A_511, %mul3A_2] : memref<10x16384xf32, #tpu.memory_space<hbm>> -> memref<1x512xf32, #tpu.memory_space<hbm>>
    %dma_wait3A_518 = tpu.memref_squeeze %dma_wait3A_517 : memref<1x512xf32, #tpu.memory_space<hbm>> -> memref<512xf32, #tpu.memory_space<hbm>>
    %dma_wait3A_519 = arith.constant 0 : i32
    %dma_wait3A_520 = tpu.memref_slice %arg11[%dma_wait3A_510, %dma_wait3A_519] : memref<10x512xf32, #tpu.memory_space<vmem>> -> memref<1x512xf32, #tpu.memory_space<vmem>>
    %dma_wait3A_521 = tpu.memref_squeeze %dma_wait3A_520 : memref<1x512xf32, #tpu.memory_space<vmem>> -> memref<512xf32, #tpu.memory_space<vmem>>
    tpu.wait_dma2 semaphore(%arg13 : memref<!tpu.dma_semaphore, #tpu.memory_space<semaphore_mem>>) src(%dma_wait3A_521 : memref<512xf32, #tpu.memory_space<vmem>>) dst(%dma_wait3A_518 : memref<512xf32, #tpu.memory_space<hbm>>)
    %dma_wait3A_522 = arith.constant 8 : i32
    %dma_wait3A_523 = arith.constant 8 : i32
    %dma_wait3A_524 = arith.constant 0 : i32
    %dma_wait3A_525 = tpu.memref_slice %arg11[%dma_wait3A_522, %dma_wait3A_524] : memref<10x512xf32, #tpu.memory_space<vmem>> -> memref<1x512xf32, #tpu.memory_space<vmem>>
    %dma_wait3A_526 = tpu.memref_squeeze %dma_wait3A_525 : memref<1x512xf32, #tpu.memory_space<vmem>> -> memref<512xf32, #tpu.memory_space<vmem>>
    %dma_wait3A_527 = tpu.memref_slice %arg6[%dma_wait3A_523, %mul3A_2] : memref<10x16384xf32, #tpu.memory_space<hbm>> -> memref<1x512xf32, #tpu.memory_space<hbm>>
    %dma_wait3A_528 = tpu.memref_squeeze %dma_wait3A_527 : memref<1x512xf32, #tpu.memory_space<hbm>> -> memref<512xf32, #tpu.memory_space<hbm>>
    %dma_wait3A_529 = tpu.memref_slice %arg6[%dma_wait3A_523, %mul3A_2] : memref<10x16384xf32, #tpu.memory_space<hbm>> -> memref<1x512xf32, #tpu.memory_space<hbm>>
    %dma_wait3A_530 = tpu.memref_squeeze %dma_wait3A_529 : memref<1x512xf32, #tpu.memory_space<hbm>> -> memref<512xf32, #tpu.memory_space<hbm>>
    %dma_wait3A_531 = arith.constant 0 : i32
    %dma_wait3A_532 = tpu.memref_slice %arg11[%dma_wait3A_522, %dma_wait3A_531] : memref<10x512xf32, #tpu.memory_space<vmem>> -> memref<1x512xf32, #tpu.memory_space<vmem>>
    %dma_wait3A_533 = tpu.memref_squeeze %dma_wait3A_532 : memref<1x512xf32, #tpu.memory_space<vmem>> -> memref<512xf32, #tpu.memory_space<vmem>>
    tpu.wait_dma2 semaphore(%arg13 : memref<!tpu.dma_semaphore, #tpu.memory_space<semaphore_mem>>) src(%dma_wait3A_533 : memref<512xf32, #tpu.memory_space<vmem>>) dst(%dma_wait3A_530 : memref<512xf32, #tpu.memory_space<hbm>>)
    %dma_wait3A_534 = arith.constant 9 : i32
    %dma_wait3A_535 = arith.constant 9 : i32
    %dma_wait3A_536 = arith.constant 0 : i32
    %dma_wait3A_537 = tpu.memref_slice %arg11[%dma_wait3A_534, %dma_wait3A_536] : memref<10x512xf32, #tpu.memory_space<vmem>> -> memref<1x512xf32, #tpu.memory_space<vmem>>
    %dma_wait3A_538 = tpu.memref_squeeze %dma_wait3A_537 : memref<1x512xf32, #tpu.memory_space<vmem>> -> memref<512xf32, #tpu.memory_space<vmem>>
    %dma_wait3A_539 = tpu.memref_slice %arg6[%dma_wait3A_535, %mul3A_2] : memref<10x16384xf32, #tpu.memory_space<hbm>> -> memref<1x512xf32, #tpu.memory_space<hbm>>
    %dma_wait3A_540 = tpu.memref_squeeze %dma_wait3A_539 : memref<1x512xf32, #tpu.memory_space<hbm>> -> memref<512xf32, #tpu.memory_space<hbm>>
    %dma_wait3A_541 = tpu.memref_slice %arg6[%dma_wait3A_535, %mul3A_2] : memref<10x16384xf32, #tpu.memory_space<hbm>> -> memref<1x512xf32, #tpu.memory_space<hbm>>
    %dma_wait3A_542 = tpu.memref_squeeze %dma_wait3A_541 : memref<1x512xf32, #tpu.memory_space<hbm>> -> memref<512xf32, #tpu.memory_space<hbm>>
    %dma_wait3A_543 = arith.constant 0 : i32
    %dma_wait3A_544 = tpu.memref_slice %arg11[%dma_wait3A_534, %dma_wait3A_543] : memref<10x512xf32, #tpu.memory_space<vmem>> -> memref<1x512xf32, #tpu.memory_space<vmem>>
    %dma_wait3A_545 = tpu.memref_squeeze %dma_wait3A_544 : memref<1x512xf32, #tpu.memory_space<vmem>> -> memref<512xf32, #tpu.memory_space<vmem>>
    tpu.wait_dma2 semaphore(%arg13 : memref<!tpu.dma_semaphore, #tpu.memory_space<semaphore_mem>>) src(%dma_wait3A_545 : memref<512xf32, #tpu.memory_space<vmem>>) dst(%dma_wait3A_542 : memref<512xf32, #tpu.memory_space<hbm>>)
    return
  }
}

</mosaic_0001>

<sc_bundles>
// kernel: _sc_gather_concat.3.cloned.1.call-start
scs
__scs_entry_jumppad:
0x0: {  	(pc) =	sbr.rel $0x88, $3  }
0x1: {  	(tag) =	ssettag $0x0;
	lr =	simm.s32 $0x1  }
0x2: {  	[smem:$0x3F9D] =	sst lr;
	_ =	strace $0xD0000000  }
0x3: {  	_ = 	snop  }
0x4: {  	_ = 	snop  }
0x5: {  	_ = 	snop  }
0x6: {  	_ = 	snop  }
0x7: {  	_ = 	snop  }
__scs_overlays_trampoline_lowered:
0x8: {  	[smem:$0x3FAC] =	sst s0  }
0x9: {  	[smem:$0x3FAD] =	sst s1  }
0xa: {  	[smem:$0x3FAE] =	sst s2  }
0xb: {  	[smem:$0x3FAF] =	sst s3  }
0xc: {  	[smem:$0x3FB0] =	sst s4  }
0xd: {  	[smem:$0x3FB1] =	sst s5  }
0xe: {  	[smem:$0x3FB2] =	sst s6  }
0xf: {  	[smem:$0x3FB3] =	sst s7  }
0x10: {  	[smem:$0x3FB4] =	sst s8  }
0x11: {  	[smem:$0x3FB5] =	sst s9;
	s0 =	simm.s32 @!p0 $0x0  }
0x12: {  	s1 =	sld [smem:$0x3F9B];
	s0 =	simm.s32 @p0 $0x1  }
0x13: {  	[smem:$0x3FB6] =	sst s0;
	s0 =	simm.s32 @!p1 $0x0  }
0x14: {  	s2 =	sld [smem:$0x3F9A];
	s0 =	simm.s32 @p1 $0x1  }
0x15: {  	[smem:$0x3FB7] =	sst s0;
	s0 =	simm.s32 @!p2 $0x0  }
0x16: {  	s3 =	sld [smem:$0x3FDB];
	s0 =	simm.s32 @p2 $0x1  }
0x17: {  	s4 =	simm.s32 $0x1BF5;
	[smem:$0x3FB9] =	sst s0  }
0x18: {  	s0 =	sld [smem:$0x3F9C];
	_ =	swait.ge [sflag:s4], $0x0  }
0x19: {  	s7 =	sld [smem:$0x3F9D]  }
0x1a: {  	s8 =	sadd.s32 $0xFFFFE003, lr  }
0x1b: {  	s9 =	sadd.s32 $0xFFFFFEF7, lr;
	s5 =	simm.s32 $0xFFFFFFFF;
	p2 =	slt.u32 s8, $0xFFFFF086  }
0x1c: {  	p1 =	slt.u32 s9, $0xF7A;
	s5 =	simm.s32 @!p2 $0x0  }
0x1d: {  	s5 =	simm.s32 @p1 $0x1;
	p0 =	seq.s32 s7, s2  }
0x1e: {  	s7 =	smul.u32 @!p0 $0xF7A, s2;
	p2 =	seq.s32 @!p0 s5, $0x0  }
0x1f: {  	s9 =	smul.u32 $0xF7A, s1;
	s8 =	simm.s32 @!p0 $0x1BF5;
	p2 =	por !p2, p0  }
0x20: {  	[sflag:s8] =	ssyncset.s32 @!p0 $0xFFFFF086;
	s6 =	sadd.s32 @!p0 s3, s7;
	s7 =	simm.s32 @!p0 $0x108  }
0x21: {  	s3 =	sadd.s32 s3, s9;
	s6 =	sadd.s32 @!p0 $0x88, s6;
	s7 =	simm.s32 @p2 $0x1082  }
0x22: {  	[simem:s7], [sflag:s8] =	dma.local @!p0 [hbm:s6], $0xF7A  }
0x23: {  	s9 =	sor.u32 $0xD0000000, s2;
	s6 =	simm.s32 $0x108;
	_ =	swait.ge @!p0 [sflag:s8], $0x0  }
0x24: {  	s3 =	sadd.s32 $0x88, s3;
	s6 =	simm.s32 @!p1 $0x1082;
	[sflag:s4] =	ssyncset.s32 $0xFFFFF086  }
0x25: {  	[simem:s6], [sflag:s4] =	dma.local [hbm:s3], $0xF7A  }
0x26: {  	[smem:$0x3F9D] =	sst s1;
	(tag) =	ssettag s2;
	_ =	strace s9  }
0x27: {  	s1 =	sld [smem:$0x3FAD]  }
0x28: {  	s2 =	sld [smem:$0x3FAE]  }
0x29: {  	s4 =	sld [smem:$0x3FB0]  }
0x2a: {  	p0 =	seq.s32 s5, $0x0;
	s5 =	sld [smem:$0x3FB1]  }
0x2b: {  	s6 =	sld [smem:$0x3FB2]  }
0x2c: {  	s7 =	sld [smem:$0x3FB3]  }
0x2d: {  	s3 =	simm.s32 $0x108;
	s8 =	sld [smem:$0x3FB4]  }
0x2e: {  	s3 =	simm.s32 @!p0 $0x1082;
	s9 =	sld [smem:$0x3FB5]  }
0x2f: {  	lr =	sadd.s32 s0, s3;
	s0 =	sld [smem:$0x3FAC]  }
0x30: {  	s3 =	sld [smem:$0x3FAF]  }
0x31: {  	[smem:$0x3FB8] =	sst s10  }
0x32: {  	s10 =	sld [smem:$0x3FB6];
	_ =	sdelay $0x3  }
0x33: {  	p0 =	seq.s32 s10, $0x1;
	s10 =	sld [smem:$0x3FB8];
	_ =	sdelay $0x3  }
0x34: {  	[smem:$0x3FB8] =	sst s10  }
0x35: {  	s10 =	sld [smem:$0x3FB7];
	_ =	sdelay $0x3  }
0x36: {  	p1 =	seq.s32 s10, $0x1;
	s10 =	sld [smem:$0x3FB8];
	_ =	sdelay $0x3  }
0x37: {  	[smem:$0x3FB8] =	sst s10  }
0x38: {  	s10 =	sld [smem:$0x3FB9]  }
0x39: {  	_ = 	snop;
	(pc) =	sbr.ind lr, $3  }
0x3a: {  	_ = 	snop  }
0x3b: {  	_ = 	snop  }
0x3c: {  	p2 =	seq.s32 s10, $0x1;
	s10 =	sld [smem:$0x3FB8]  }
0x3d: {  	_ =	shalt  }
0x3e: {  	_ =	shalt  }
0x3f: {  	_ =	shalt  }
0x40: {  	_ =	shalt  }
0x41: {  	_ =	shalt  }
0x42: {  	_ =	shalt  }
0x43: {  	_ =	shalt  }
0x44: {  	_ =	shalt  }
0x45: {  	_ =	shalt  }
0x46: {  	_ =	shalt  }
0x47: {  	_ =	shalt  }
0x48: {  	_ =	shalt  }
0x49: {  	_ =	shalt  }
0x4a: {  	_ =	shalt  }
0x4b: {  	_ =	shalt  }
0x4c: {  	_ =	shalt  }
0x4d: {  	_ =	shalt  }
0x4e: {  	_ =	shalt  }
0x4f: {  	_ =	shalt  }
0x50: {  	_ =	shalt  }
0x51: {  	_ =	shalt  }
0x52: {  	_ =	shalt  }
0x53: {  	_ =	shalt  }
0x54: {  	_ =	shalt  }
0x55: {  	_ =	shalt  }
0x56: {  	_ =	shalt  }
0x57: {  	_ =	shalt  }
0x58: {  	_ =	shalt  }
0x59: {  	_ =	shalt  }
0x5a: {  	_ =	shalt  }
0x5b: {  	_ =	shalt  }
0x5c: {  	_ =	shalt  }
0x5d: {  	_ =	shalt  }
0x5e: {  	_ =	shalt  }
0x5f: {  	_ =	shalt  }
0x60: {  	_ =	shalt  }
0x61: {  	_ =	shalt  }
0x62: {  	_ =	shalt  }
0x63: {  	_ =	shalt  }
0x64: {  	_ =	shalt  }
0x65: {  	_ =	shalt  }
0x66: {  	_ =	shalt  }
0x67: {  	_ =	shalt  }
0x68: {  	_ =	shalt  }
0x69: {  	_ =	shalt  }
0x6a: {  	_ =	shalt  }
0x6b: {  	_ =	shalt  }
0x6c: {  	_ =	shalt  }
0x6d: {  	_ =	shalt  }
0x6e: {  	_ =	shalt  }
0x6f: {  	_ =	shalt  }
0x70: {  	_ =	shalt  }
0x71: {  	_ =	shalt  }
0x72: {  	_ =	shalt  }
0x73: {  	_ =	shalt  }
0x74: {  	_ =	shalt  }
0x75: {  	_ =	shalt  }
0x76: {  	_ =	shalt  }
0x77: {  	_ =	shalt  }
0x78: {  	_ =	shalt  }
0x79: {  	_ =	shalt  }
0x7a: {  	_ =	shalt  }
0x7b: {  	_ =	shalt  }
0x7c: {  	_ =	shalt  }
0x7d: {  	_ =	shalt  }
0x7e: {  	_ =	shalt  }
0x7f: {  	_ =	shalt  }
0x80: {  	_ =	shalt  }
0x81: {  	_ =	shalt  }
0x82: {  	_ =	shalt  }
0x83: {  	_ =	shalt  }
0x84: {  	_ =	shalt  }
0x85: {  	_ =	shalt  }
0x86: {  	_ =	shalt  }
0x87: {  	_ =	shalt  }
.Lfunc_end0:
.L_simem_size_0:
called_computation_lowered:
.L_overlay_start_0:
0x88: {  	s2 =	sld [smem:$0x3FD9]  }
0x89: {  	s3 =	sld [smem:$0x3FFE];
	_ =	sdelay $0x1  }
0x8a: {  	s1 =	srdreg.scid  }
0x8b: {  	s0 =	sand.u32 $0x1, s1  }
0x8c: {  	s17 =	sshll.u32 s0, $0xA;
	s2 =	sadd.s32 s3, s2  }
0x8d: {  	s2 =	sadd.s32 s2, s17  }
0x8e: {  	[smem:$0x3FC4] =	sst s2  }
0x8f: {  	_ = 	snop  }
0x90: {  	s2 =	sld [smem:$0x3FC6];
	(tm) =	ssettm $0x1  }
0x91: {  	s18 =	sld [smem:$0x3FFB];
	_ =	sdelay $0x3  }
0x92: {  	_ =	strace s18  }
0x93: {  	s3 =	sld [smem:$0x3FFC];
	_ =	sdelay $0x3  }
0x94: {  	_ =	strace s3  }
0x95: {  	s3 =	sld [smem:$0x3FFD];
	_ =	sdelay $0x3  }
0x96: {  	_ =	strace s3  }
0x97: {  	_ =	strace $0x8FFFFFFF  }
0x98: {  	s19 =	sld [smem:$0x3FDB];
	_ =	sdelay $0x1  }
0x99: {  	s4 =	simm.s32 $_scs_section_size  }
0x9a: {  	s5 =	simm.s32 $_size__tile_overlayer_lowered;
	s6 =	simm.s32 $_tile_overlayer_lowered  }
0x9b: {  	s22 =	simm.s32 $0x1BFF;
	s21 =	sshll.u32 s6, $0x1;
	s3 =	sadd.s32 s4, s19  }
0x9c: {  	s7 =	simm.s32 $0x0;
	s20 =	sshll.u32 s5, $0x1;
	s5 =	sadd.s32 s21, s3  }
0x9d: {  	[timem:s7], [sflag:s22] =	dma.local [hbm:s5], s20  }
0x9e: {  	_ =	swait.ge [sflag:s22], s20  }
0x9f: {  	s4 =	ssub.s32 $0x0, s20;
	[sflag:s22] =	ssyncset.done $0x0  }
0xa0: {  	[sflag:s22] =	ssyncadd.s32 s4;
	_ =	sdelay $0x1  }
0xa1: {  	s23 =	simm.s32 $0x1B8B  }
0xa2: {  	_ =	swait.ge [sflag:s23], $0x1  }
0xa3: {  	[sflag:s23] =	ssyncset.done $0x0  }
0xa4: {  	s25 =	simm.s32 $0x1B8E;
	s24 =	sld [smem:$0x3FFE];
	[sflag:s23] =	ssyncadd.s32 $0xFFFFFFFF  }
0xa5: {  	s26 =	simm.s32 $execute0_lowered;
	[smem:$0x3FD2] =	sst s25  }
0xa6: {  	s5 =	sshll.u32 s26, $0x1;
	_ =	strace $0x80000046;
	[dreg:$0x1] =	wrdreg $0xFFFFFFFF  }
0xa7: {  	s28 =	simm.s32 $_size_execute0_lowered;
	s3 =	sadd.s32 s3, s5;
	[dreg:$0x0] =	wrdreg $0x0  }
0xa8: {  	s5 =	sshll.u32 s28, $0x1;
	[dreg:$0x2] =	wrdreg s3  }
0xa9: {  	[dreg:$0x3] =	wrdreg s5  }
0xaa: {  	[dreg:$0x4] =	wrdreg $0xC0  }
0xab: {  	_ =	task [dreg:s7], $0x5FFFF  }
0xac: {  	[dreg:$0x1] =	wrdreg $0xFFFFFFFF  }
0xad: {  	[dreg:$0x0] =	wrdreg $0x60  }
0xae: {  	[dreg:$0x2] =	wrdreg s24  }
0xaf: {  	[dreg:$0x3] =	wrdreg s2  }
0xb0: {  	[dreg:$0x4] =	wrdreg $0x9  }
0xb1: {  	_ =	task.clear_ibuf [dreg:s7], $0x5FFFF;
	_ =	strace $0x90000046  }
0xb2: {  	s29 =	simm.s32 $0x9;
	_ =	strace $0x80000048  }
0xb3: {  	_ =	swait.ge [sflag:s29], $0x1  }
0xb4: {  	[sflag:s29] =	ssyncadd.s32 $0xFFFFFFFF  }
0xb5: {  	_ =	strace $0x90000048  }
0xb6: {  	_ =	sfence  }
0xb7: {  	s30 =	sld [smem:$0x0];
	_ =	sdelay $0x2  }
0xb8: {  	s31 =	sshll.u32 s1, $0xD;
	s1 =	sshrl.u32 s1, $0x2  }
0xb9: {  	s3 =	sand.u32 $0x4000, s31;
	s1 =	sadd.s32 s1, s30  }
0xba: {  	s0 =	sor.u32 s3, s0;
	s1 =	sshll.u32 s1, $0x11  }
0xbb: {  	s0 =	sor.u32 s1, s0  }
0xbc: {  	s0 =	sadd.s32 $0x8F2B, s0  }
0xbd: {  	[sflag:s0] =	ssyncadd.remote.s32 $0x1  }
0xbe: {  	_ =	sfence.sel $0xFFFF  }
0xbf: {  	[dreg:$0x0] =	wrdreg $0xFFFFFFFF;
	(pc) =	sbr.abs _section_cstart, $3  }
0xc0: {  	[dreg:$0x1] =	wrdreg $0xFFFFFFFF  }
0xc1: {  	_ =	task.clear_ibuf [dreg:s7], $0x2FFFF;
	_ =	strace $0x9FFFFFFF  }
0xc2: {  	(tm) =	ssettm $0x7FFFFFFF  }
0xc3: {  	_ =	shalt  }
tec
execute0_lowered:
.L_overlay_start_1:
0x0: {  	(tag) =	ssettag $0x1  }
0x1: {  	s0 =	rddreg [dreg:$0x0]  }
0x2: {  	s1 =	rddreg [dreg:$0x1];
	s10 =	simm.s32 $0x0  }
0x3: {  	s2 =	srdreg.scid;
	s3 =	stileid.u32;
	s28 =	simm.s32 $0x600  }
0x4: {  	s29 =	simm.s32 $0xA600;
	s30 =	simm.s32 $0x2;
	s31 =	simm.s32 $0x4  }
0x5: {  	s6 =	simm.s32 $0x9;
	[smem:$0x7FF] =	sst s10;
	s4 =	sadd.s32 $0x13000, s0  }
0x6: {  	s5 =	sadd.s32 $0x800, s0;
	_ =	strace $0x80000047;
	[dreg:$0x3] =	wrdreg s4  }
0x7: {  	s7 =	simm.s32 $0xA;
	s11 =	sadd.s32 $0x9C00, s0;
	[dreg:$0x4] =	wrdreg s5  }
0x8: {  	s8 =	simm.s32 $0xB;
	s21 =	sadd.s32 $0x160D4, s0;
	[dreg:$0x5] =	wrdreg s11  }
0x9: {  	s2 =	sand.u32 $0x1, s2;
	s22 =	sadd.s32 $0x191A8, s0;
	[dreg:$0x7] =	wrdreg s21  }
0xa: {  	s3 =	sshll.u32 s3, $0x7;
	s23 =	sadd.s32 $0x1C27C, s0;
	[dreg:$0x8] =	wrdreg s22  }
0xb: {  	s24 =	sadd.s32 $0x38D4, s0;
	s25 =	sadd.s32 $0x69A8, s0;
	[dreg:$0x9] =	wrdreg s23  }
0xc: {  	s26 =	sadd.s32 $0xCCD4, s0;
	s13 =	sadd.s32 $0xFDA8, s0;
	[dreg:$0xa] =	wrdreg s24  }
0xd: {  	s9 =	sshll.u32 s2, $0x6;
	s2 =	ssub.s32 $0x2, s2;
	[dreg:$0xb] =	wrdreg s25  }
0xe: {  	[dreg:$0xc] =	wrdreg s26;
	s25 =	simm.s32 $0xC;
	s26 =	simm.s32 $0x200  }
0xf: {  	s4 =	simm.s32 $0x7;
	s5 =	simm.s32 $0x8;
	s3 =	sor.u32 s9, s3  }
0x10: {  	s20 =	sshrl.u32 s2, $0x1;
	s9 =	simm.s32 $0x0;
	s12 =	sadd.s32 s3, s0  }
0x11: {  	s2 =	ssub.s32 s2, s20;
	s1 =	sadd.s32 s1, s3;
	s0 =	simm.s32 $0x3  }
0x12: {  	v0 =	vlaneseq.u32;
	s3 =	simm.s32 $0x6;
	[dreg:$0x6] =	wrdreg s1;
	s14 =	sadd.s32 $0x1F400, s12  }
0x13: {  	v1 =	vor.u32 $0xFFFFFFF8, v0;
	s15 =	sadd.s32 $0x1FC00, s12;
	s16 =	sadd.s32 $0x20400, s12;
	s17 =	sadd.s32 $0x20C00, s12  }
0x14: {  	v2 =	vor.u32 $0x200, v0;
	v3 =	vor.u32 $0x400, v0;
	v4 =	vor.u32 $0x600, v0;
	s18 =	sadd.s32 $0x21400, s12;
	s19 =	sadd.s32 $0x21C00, s12;
	s20 =	sadd.s32 $0x22400, s12  }
0x15: {  	v5 =	vor.u32 $0x800, v0;
	v6 =	vor.u32 $0xA00, v0;
	v7 =	vor.u32 $0xC00, v0;
	s21 =	sadd.s32 $0x22C00, s12;
	s22 =	sadd.s32 $0x23400, s12;
	s23 =	sadd.s32 $0x23C00, s12  }
0x16: {  	v8 =	vor.u32 $0xE00, v0;
	v9 =	vor.u32 $0x1000, v0;
	v10 =	vor.u32 $0x1200, v0;
	s24 =	smax.u32 s2, $0x1;
	s1 =	simm.s32 $0x1;
	s2 =	simm.s32 $0x5  }
.LBB2_1:
0x17: {  	s11 =	rddreg [dreg:$0x6]  }
0x18: {  	[tilespmem:s10], [sflag:$0xC] =	stream.linear.gather [hbm4b:s11+s10], $0x200, $0x38;
	[tilespmem:$0xBA00] =	vst v63  }
0x19: {  	_ =	swait.ge [sflag:s25], $0x200  }
0x1a: {  	[sflag:s25] =	ssyncset.done $0x0  }
0x1b: {  	s10 =	simm.s32 $0x0;
	[sflag:s25] =	ssyncadd.s32 $0xFFFFFE00  }
0x1c: {  	v11 =	vld [tilespmem:s10+$0x0]  }
0x1d: {  	s11 =	simm.s32 $0x40  }
.LBB2_2:
0x1e: {  	p0 =	sne.s32 s11, $0x7C0  }
.Ltmp0:
0x1f: {  	_ = 	snop;
	(pc) =	sbr.rel @p0 .LBB2_2-.Ltmp0, $4  }
0x20: {  	_ = 	snop  }
0x21: {  	s12 =	sshra.s32 s11, $0x2;
	s11 =	sadd.s32 $0x40, s11;
	v12 =	vshrl.u32 v11, $0x3;
	v13 =	vand.u32 $0x7, v11  }
0x22: {  	v11 =	vld [tilespmem:s12+$0x0];
	[tilespmem:s10+$0x400] =	vst v13  }
0x23: {  	[tilespmem:s10+$0x200] =	vst v12;
	s10 =	smov.u32 s12  }
0x24: {  	_ =	sdelay $0x2  }
0x25: {  	v12 =	vand.u32 $0x7, v11  }
0x26: {  	v11 =	vshrl.u32 v11, $0x3;
	[tilespmem:s10+$0x400] =	vst v12  }
0x27: {  	s11 =	rddreg [dreg:$0x3];
	[tilespmem:s10+$0x200] =	vst v11  }
0x28: {  	[tilespmem:s28], [sflag:$0x1] =	stream.indirect.gather [hbm4b:s11+s26], $0x8, s26, s26, $0xb8;
	[tilespmem:$0xBA00] =	vst v63  }
0x29: {  	s12 =	rddreg [dreg:$0x7];
	s11 =	simm.s32 $0x1600  }
0x2a: {  	[tilespmem:s11], [sflag:$0x2] =	stream.indirect.gather [hbm4b:s12+s26], $0x8, s26, s26, $0xb8;
	[tilespmem:$0xBA00] =	vst v63  }
0x2b: {  	s11 =	rddreg [dreg:$0x8];
	s12 =	simm.s32 $0x2600  }
0x2c: {  	[tilespmem:s12], [sflag:$0x3] =	stream.indirect.gather [hbm4b:s11+s26], $0x8, s26, s26, $0xb8;
	[tilespmem:$0xBA00] =	vst v63  }
0x2d: {  	s11 =	rddreg [dreg:$0x9];
	s12 =	simm.s32 $0x3600  }
0x2e: {  	[tilespmem:s12], [sflag:$0x4] =	stream.indirect.gather [hbm4b:s11+s26], $0x8, s26, s26, $0xb8;
	[tilespmem:$0xBA00] =	vst v63  }
0x2f: {  	s11 =	rddreg [dreg:$0x4];
	s12 =	simm.s32 $0x4600  }
0x30: {  	[tilespmem:s12], [sflag:$0x5] =	stream.indirect.gather [hbm4b:s11+s26], $0x8, s26, s26, $0xb8;
	[tilespmem:$0xBA00] =	vst v63  }
0x31: {  	s11 =	rddreg [dreg:$0xa];
	s12 =	simm.s32 $0x5600  }
0x32: {  	[tilespmem:s12], [sflag:$0x6] =	stream.indirect.gather [hbm4b:s11+s26], $0x8, s26, s26, $0xb8;
	[tilespmem:$0xBA00] =	vst v63  }
0x33: {  	s11 =	rddreg [dreg:$0xb];
	s12 =	simm.s32 $0x6600  }
0x34: {  	[tilespmem:s12], [sflag:$0x7] =	stream.indirect.gather [hbm4b:s11+s26], $0x8, s26, s26, $0xb8;
	[tilespmem:$0xBA00] =	vst v63  }
0x35: {  	s11 =	rddreg [dreg:$0x5];
	s12 =	simm.s32 $0x7600  }
0x36: {  	[tilespmem:s12], [sflag:$0x8] =	stream.indirect.gather [hbm4b:s11+s26], $0x8, s26, s26, $0xb8;
	[tilespmem:$0xBA00] =	vst v63  }
0x37: {  	s11 =	rddreg [dreg:$0xc];
	s12 =	simm.s32 $0x8600  }
0x38: {  	[tilespmem:s12], [sflag:$0x9] =	stream.indirect.gather [hbm4b:s11+s26], $0x8, s26, s26, $0xb8;
	[tilespmem:$0xBA00] =	vst v63  }
0x39: {  	s12 =	simm.s32 $0x9600  }
0x3a: {  	[tilespmem:s12], [sflag:$0xA] =	stream.indirect.gather [hbm4b:s13+s26], $0x8, s26, s26, $0xb8;
	[tilespmem:$0xBA00] =	vst v63  }
0x3b: {  	_ =	swait.ge [sflag:s1], $0x1000  }
0x3c: {  	[sflag:s1] =	ssyncset.done $0x0  }
0x3d: {  	s10 =	simm.s32 $0x400;
	[sflag:s1] =	ssyncadd.s32 $0xFFFFF000  }
0x3e: {  	s11 =	simm.s32 $0x0;
	s12 =	simm.s32 $0x10;
	v11 =	vld [tilespmem:s10+$0x0]  }
.LBB2_4:
0x3f: {  	p0 =	sne.s32 s12, $0x1F0;
	_ =	sdelay $0x2  }
0x40: {  	v12 =	vor.u32 s11, v0;
	s11 =	smov.u32 s12  }
0x41: {  	v14 =	vshll.u32 v12, $0x3;
	v13 =	vand.u32 $0xFFFFFFF8, v11  }
0x42: {  	v11 =	vand.u32 $0x7, v11;
	v13 =	vadd.s32 v14, v13  }
0x43: {  	v11 =	vor.u32 v11, v13;
	_ =	sdelay $0x4  }
0x44: {  	v11 =	vld.idx.msk [tilespmem:v11+s28+$0x0], $0xffff  }
0x45: {  	v12 =	vand.u32 v1, v12;
	_ =	sdelay $0x1  }
.Ltmp1:
0x46: {  	(pc) =	sbr.rel @p0 .LBB2_4-.Ltmp1, $3  }
0x47: {  	_ =	sdelay $0x1  }
0x48: {  	s10 =	sadd.s32 $0x10, s10;
	[tilespmem:v12+s29+$0x0] =	vst.idx.msk $0xffff, v11  }
0x49: {  	s12 =	sadd.s32 $0x10, s12;
	v11 =	vld [tilespmem:s10+$0x0]  }
0x4a: {  	_ =	sdelay $0x2  }
0x4b: {  	v12 =	vor.u32 s11, v0  }
0x4c: {  	v14 =	vshll.u32 v12, $0x3;
	v13 =	vand.u32 $0xFFFFFFF8, v11  }
0x4d: {  	v11 =	vand.u32 $0x7, v11;
	v13 =	vadd.s32 v14, v13  }
0x4e: {  	v11 =	vor.u32 v11, v13;
	_ =	sdelay $0x4  }
0x4f: {  	v12 =	vand.u32 v1, v12;
	v11 =	vld.idx.msk [tilespmem:v11+s28+$0x0], $0xffff;
	_ =	sdelay $0x4  }
0x50: {  	s10 =	simm.s32 $0x0;
	[tilespmem:v12+s29+$0x0] =	vst.idx.msk $0xffff, v11  }
0x51: {  	[hbm4b:s14+s10] =	stream.linear.scatter [tilespmem:s29], [sflag:$0xB], $0x200, $0x38;
	[tilespmem:$0xBA00] =	vst v63  }
0x52: {  	_ =	swait.ge [sflag:s30], $0x1000  }
0x53: {  	[sflag:s30] =	ssyncset.done $0x0  }
0x54: {  	s11 =	simm.s32 $0x400;
	[sflag:s30] =	ssyncadd.s32 $0xFFFFF000  }
0x55: {  	s12 =	simm.s32 $0x10;
	v11 =	vld [tilespmem:s11+$0x0]  }
.LBB2_6:
0x56: {  	p0 =	sne.s32 s12, $0x1F0;
	_ =	sdelay $0x2  }
0x57: {  	v12 =	vor.u32 s10, v2;
	s10 =	smov.u32 s12  }
0x58: {  	v14 =	vshll.u32 v12, $0x3;
	v13 =	vand.u32 $0xFFFFFFF8, v11  }
0x59: {  	v11 =	vand.u32 $0x7, v11;
	v13 =	vadd.s32 v14, v13  }
0x5a: {  	v11 =	vor.u32 v11, v13;
	_ =	sdelay $0x4  }
0x5b: {  	v11 =	vld.idx.msk [tilespmem:v11+s28+$0x0], $0xffff;
	_ =	sdelay $0x2  }
.Ltmp2:
0x5c: {  	(pc) =	sbr.rel @p0 .LBB2_6-.Ltmp2, $3  }
0x5d: {  	_ =	sdelay $0x1  }
0x5e: {  	s11 =	sadd.s32 $0x10, s11;
	[tilespmem:v12+s29+$0x0] =	vst.idx.msk $0xffff, v11  }
0x5f: {  	s12 =	sadd.s32 $0x10, s12;
	v11 =	vld [tilespmem:s11+$0x0]  }
0x60: {  	_ =	sdelay $0x2  }
0x61: {  	v12 =	vor.u32 s10, v2  }
0x62: {  	v14 =	vshll.u32 v12, $0x3;
	v13 =	vand.u32 $0xFFFFFFF8, v11  }
0x63: {  	v11 =	vand.u32 $0x7, v11;
	v13 =	vadd.s32 v14, v13  }
0x64: {  	v11 =	vor.u32 v11, v13;
	_ =	sdelay $0x4  }
0x65: {  	v11 =	vld.idx.msk [tilespmem:v11+s28+$0x0], $0xffff;
	_ =	sdelay $0x4  }
0x66: {  	s10 =	simm.s32 $0x0;
	s11 =	simm.s32 $0xA800;
	[tilespmem:v12+s29+$0x0] =	vst.idx.msk $0xffff, v11  }
0x67: {  	[hbm4b:s15+s10] =	stream.linear.scatter [tilespmem:s11], [sflag:$0xB], $0x200, $0x38;
	[tilespmem:$0xBA00] =	vst v63  }
0x68: {  	_ =	swait.ge [sflag:s0], $0x1000  }
0x69: {  	[sflag:s0] =	ssyncset.done $0x0  }
0x6a: {  	s11 =	simm.s32 $0x400;
	[sflag:s0] =	ssyncadd.s32 $0xFFFFF000  }
0x6b: {  	s12 =	simm.s32 $0x10;
	v11 =	vld [tilespmem:s11+$0x0]  }
.LBB2_8:
0x6c: {  	p0 =	sne.s32 s12, $0x1F0;
	_ =	sdelay $0x2  }
0x6d: {  	v12 =	vor.u32 s10, v3;
	s10 =	smov.u32 s12  }
0x6e: {  	v14 =	vshll.u32 v12, $0x3;
	v13 =	vand.u32 $0xFFFFFFF8, v11  }
0x6f: {  	v11 =	vand.u32 $0x7, v11;
	v13 =	vadd.s32 v14, v13  }
0x70: {  	v11 =	vor.u32 v11, v13;
	_ =	sdelay $0x4  }
0x71: {  	v11 =	vld.idx.msk [tilespmem:v11+s28+$0x0], $0xffff;
	_ =	sdelay $0x2  }
.Ltmp3:
0x72: {  	(pc) =	sbr.rel @p0 .LBB2_8-.Ltmp3, $3  }
0x73: {  	_ =	sdelay $0x1  }
0x74: {  	s11 =	sadd.s32 $0x10, s11;
	[tilespmem:v12+s29+$0x0] =	vst.idx.msk $0xffff, v11  }
0x75: {  	s12 =	sadd.s32 $0x10, s12;
	v11 =	vld [tilespmem:s11+$0x0]  }
0x76: {  	_ =	sdelay $0x2  }
0x77: {  	v12 =	vor.u32 s10, v3  }
0x78: {  	v14 =	vshll.u32 v12, $0x3;
	v13 =	vand.u32 $0xFFFFFFF8, v11  }
0x79: {  	v11 =	vand.u32 $0x7, v11;
	v13 =	vadd.s32 v14, v13  }
0x7a: {  	v11 =	vor.u32 v11, v13;
	_ =	sdelay $0x4  }
0x7b: {  	v11 =	vld.idx.msk [tilespmem:v11+s28+$0x0], $0xffff;
	_ =	sdelay $0x4  }
0x7c: {  	s10 =	simm.s32 $0x0;
	s11 =	simm.s32 $0xAA00;
	[tilespmem:v12+s29+$0x0] =	vst.idx.msk $0xffff, v11  }
0x7d: {  	[hbm4b:s16+s10] =	stream.linear.scatter [tilespmem:s11], [sflag:$0xB], $0x200, $0x38;
	[tilespmem:$0xBA00] =	vst v63  }
0x7e: {  	_ =	swait.ge [sflag:s31], $0x1000  }
0x7f: {  	[sflag:s31] =	ssyncset.done $0x0  }
0x80: {  	s11 =	simm.s32 $0x400;
	[sflag:s31] =	ssyncadd.s32 $0xFFFFF000  }
0x81: {  	s12 =	simm.s32 $0x10;
	v11 =	vld [tilespmem:s11+$0x0]  }
.LBB2_10:
0x82: {  	p0 =	sne.s32 s12, $0x1F0;
	_ =	sdelay $0x2  }
0x83: {  	v12 =	vor.u32 s10, v4;
	s10 =	smov.u32 s12  }
0x84: {  	v14 =	vshll.u32 v12, $0x3;
	v13 =	vand.u32 $0xFFFFFFF8, v11  }
0x85: {  	v11 =	vand.u32 $0x7, v11;
	v13 =	vadd.s32 v14, v13  }
0x86: {  	v11 =	vor.u32 v11, v13;
	_ =	sdelay $0x4  }
0x87: {  	v11 =	vld.idx.msk [tilespmem:v11+s28+$0x0], $0xffff;
	_ =	sdelay $0x2  }
.Ltmp4:
0x88: {  	(pc) =	sbr.rel @p0 .LBB2_10-.Ltmp4, $3  }
0x89: {  	_ =	sdelay $0x1  }
0x8a: {  	s11 =	sadd.s32 $0x10, s11;
	[tilespmem:v12+s29+$0x0] =	vst.idx.msk $0xffff, v11  }
0x8b: {  	s12 =	sadd.s32 $0x10, s12;
	v11 =	vld [tilespmem:s11+$0x0]  }
0x8c: {  	_ =	sdelay $0x2  }
0x8d: {  	v12 =	vor.u32 s10, v4  }
0x8e: {  	v14 =	vshll.u32 v12, $0x3;
	v13 =	vand.u32 $0xFFFFFFF8, v11  }
0x8f: {  	v11 =	vand.u32 $0x7, v11;
	v13 =	vadd.s32 v14, v13  }
0x90: {  	v11 =	vor.u32 v11, v13;
	_ =	sdelay $0x4  }
0x91: {  	v11 =	vld.idx.msk [tilespmem:v11+s28+$0x0], $0xffff;
	_ =	sdelay $0x4  }
0x92: {  	s10 =	simm.s32 $0x0;
	s11 =	simm.s32 $0xAC00;
	[tilespmem:v12+s29+$0x0] =	vst.idx.msk $0xffff, v11  }
0x93: {  	[hbm4b:s17+s10] =	stream.linear.scatter [tilespmem:s11], [sflag:$0xB], $0x200, $0x38;
	[tilespmem:$0xBA00] =	vst v63  }
0x94: {  	_ =	swait.ge [sflag:s2], $0x1000  }
0x95: {  	[sflag:s2] =	ssyncset.done $0x0  }
0x96: {  	s11 =	simm.s32 $0x400;
	[sflag:s2] =	ssyncadd.s32 $0xFFFFF000  }
0x97: {  	s12 =	simm.s32 $0x10;
	v11 =	vld [tilespmem:s11+$0x0]  }
.LBB2_12:
0x98: {  	p0 =	sne.s32 s12, $0x1F0;
	_ =	sdelay $0x2  }
0x99: {  	v12 =	vor.u32 s10, v5;
	s10 =	smov.u32 s12  }
0x9a: {  	v14 =	vshll.u32 v12, $0x3;
	v13 =	vand.u32 $0xFFFFFFF8, v11  }
0x9b: {  	v11 =	vand.u32 $0x7, v11;
	v13 =	vadd.s32 v14, v13  }
0x9c: {  	v11 =	vor.u32 v11, v13;
	_ =	sdelay $0x4  }
0x9d: {  	v11 =	vld.idx.msk [tilespmem:v11+s28+$0x0], $0xffff;
	_ =	sdelay $0x2  }
.Ltmp5:
0x9e: {  	(pc) =	sbr.rel @p0 .LBB2_12-.Ltmp5, $3  }
0x9f: {  	_ =	sdelay $0x1  }
0xa0: {  	s11 =	sadd.s32 $0x10, s11;
	[tilespmem:v12+s29+$0x0] =	vst.idx.msk $0xffff, v11  }
0xa1: {  	s12 =	sadd.s32 $0x10, s12;
	v11 =	vld [tilespmem:s11+$0x0]  }
0xa2: {  	_ =	sdelay $0x2  }
0xa3: {  	v12 =	vor.u32 s10, v5  }
0xa4: {  	v14 =	vshll.u32 v12, $0x3;
	v13 =	vand.u32 $0xFFFFFFF8, v11  }
0xa5: {  	v11 =	vand.u32 $0x7, v11;
	v13 =	vadd.s32 v14, v13  }
0xa6: {  	v11 =	vor.u32 v11, v13;
	_ =	sdelay $0x4  }
0xa7: {  	v11 =	vld.idx.msk [tilespmem:v11+s28+$0x0], $0xffff;
	_ =	sdelay $0x4  }
0xa8: {  	s10 =	simm.s32 $0x0;
	s11 =	simm.s32 $0xAE00;
	[tilespmem:v12+s29+$0x0] =	vst.idx.msk $0xffff, v11  }
0xa9: {  	[hbm4b:s18+s10] =	stream.linear.scatter [tilespmem:s11], [sflag:$0xB], $0x200, $0x38;
	[tilespmem:$0xBA00] =	vst v63  }
0xaa: {  	_ =	swait.ge [sflag:s3], $0x1000  }
0xab: {  	[sflag:s3] =	ssyncset.done $0x0  }
0xac: {  	s11 =	simm.s32 $0x400;
	[sflag:s3] =	ssyncadd.s32 $0xFFFFF000  }
0xad: {  	s12 =	simm.s32 $0x10;
	v11 =	vld [tilespmem:s11+$0x0]  }
.LBB2_14:
0xae: {  	p0 =	sne.s32 s12, $0x1F0;
	_ =	sdelay $0x2  }
0xaf: {  	v12 =	vor.u32 s10, v6;
	s10 =	smov.u32 s12  }
0xb0: {  	v14 =	vshll.u32 v12, $0x3;
	v13 =	vand.u32 $0xFFFFFFF8, v11  }
0xb1: {  	v11 =	vand.u32 $0x7, v11;
	v13 =	vadd.s32 v14, v13  }
0xb2: {  	v11 =	vor.u32 v11, v13;
	_ =	sdelay $0x4  }
0xb3: {  	v11 =	vld.idx.msk [tilespmem:v11+s28+$0x0], $0xffff;
	_ =	sdelay $0x2  }
.Ltmp6:
0xb4: {  	(pc) =	sbr.rel @p0 .LBB2_14-.Ltmp6, $3  }
0xb5: {  	_ =	sdelay $0x1  }
0xb6: {  	s11 =	sadd.s32 $0x10, s11;
	[tilespmem:v12+s29+$0x0] =	vst.idx.msk $0xffff, v11  }
0xb7: {  	s12 =	sadd.s32 $0x10, s12;
	v11 =	vld [tilespmem:s11+$0x0]  }
0xb8: {  	_ =	sdelay $0x2  }
0xb9: {  	v12 =	vor.u32 s10, v6  }
0xba: {  	v14 =	vshll.u32 v12, $0x3;
	v13 =	vand.u32 $0xFFFFFFF8, v11  }
0xbb: {  	v11 =	vand.u32 $0x7, v11;
	v13 =	vadd.s32 v14, v13  }
0xbc: {  	v11 =	vor.u32 v11, v13;
	_ =	sdelay $0x4  }
0xbd: {  	v11 =	vld.idx.msk [tilespmem:v11+s28+$0x0], $0xffff;
	_ =	sdelay $0x4  }
0xbe: {  	s10 =	simm.s32 $0x0;
	s11 =	simm.s32 $0xB000;
	[tilespmem:v12+s29+$0x0] =	vst.idx.msk $0xffff, v11  }
0xbf: {  	[hbm4b:s19+s10] =	stream.linear.scatter [tilespmem:s11], [sflag:$0xB], $0x200, $0x38;
	[tilespmem:$0xBA00] =	vst v63  }
0xc0: {  	_ =	swait.ge [sflag:s4], $0x1000  }
0xc1: {  	[sflag:s4] =	ssyncset.done $0x0  }
0xc2: {  	s11 =	simm.s32 $0x400;
	[sflag:s4] =	ssyncadd.s32 $0xFFFFF000  }
0xc3: {  	s12 =	simm.s32 $0x10;
	v11 =	vld [tilespmem:s11+$0x0]  }
.LBB2_16:
0xc4: {  	p0 =	sne.s32 s12, $0x1F0;
	_ =	sdelay $0x2  }
0xc5: {  	v12 =	vor.u32 s10, v7;
	s10 =	smov.u32 s12  }
0xc6: {  	v14 =	vshll.u32 v12, $0x3;
	v13 =	vand.u32 $0xFFFFFFF8, v11  }
0xc7: {  	v11 =	vand.u32 $0x7, v11;
	v13 =	vadd.s32 v14, v13  }
0xc8: {  	v11 =	vor.u32 v11, v13;
	_ =	sdelay $0x4  }
0xc9: {  	v11 =	vld.idx.msk [tilespmem:v11+s28+$0x0], $0xffff;
	_ =	sdelay $0x2  }
.Ltmp7:
0xca: {  	(pc) =	sbr.rel @p0 .LBB2_16-.Ltmp7, $3  }
0xcb: {  	_ =	sdelay $0x1  }
0xcc: {  	s11 =	sadd.s32 $0x10, s11;
	[tilespmem:v12+s29+$0x0] =	vst.idx.msk $0xffff, v11  }
0xcd: {  	s12 =	sadd.s32 $0x10, s12;
	v11 =	vld [tilespmem:s11+$0x0]  }
0xce: {  	_ =	sdelay $0x2  }
0xcf: {  	v12 =	vor.u32 s10, v7  }
0xd0: {  	v14 =	vshll.u32 v12, $0x3;
	v13 =	vand.u32 $0xFFFFFFF8, v11  }
0xd1: {  	v11 =	vand.u32 $0x7, v11;
	v13 =	vadd.s32 v14, v13  }
0xd2: {  	v11 =	vor.u32 v11, v13;
	_ =	sdelay $0x4  }
0xd3: {  	v11 =	vld.idx.msk [tilespmem:v11+s28+$0x0], $0xffff;
	_ =	sdelay $0x4  }
0xd4: {  	s10 =	simm.s32 $0x0;
	s11 =	simm.s32 $0xB200;
	[tilespmem:v12+s29+$0x0] =	vst.idx.msk $0xffff, v11  }
0xd5: {  	[hbm4b:s20+s10] =	stream.linear.scatter [tilespmem:s11], [sflag:$0xB], $0x200, $0x38;
	[tilespmem:$0xBA00] =	vst v63  }
0xd6: {  	_ =	swait.ge [sflag:s5], $0x1000  }
0xd7: {  	[sflag:s5] =	ssyncset.done $0x0  }
0xd8: {  	s11 =	simm.s32 $0x400;
	[sflag:s5] =	ssyncadd.s32 $0xFFFFF000  }
0xd9: {  	s12 =	simm.s32 $0x10;
	v11 =	vld [tilespmem:s11+$0x0]  }
.LBB2_18:
0xda: {  	p0 =	sne.s32 s12, $0x1F0;
	_ =	sdelay $0x2  }
0xdb: {  	v12 =	vor.u32 s10, v8;
	s10 =	smov.u32 s12  }
0xdc: {  	v14 =	vshll.u32 v12, $0x3;
	v13 =	vand.u32 $0xFFFFFFF8, v11  }
0xdd: {  	v11 =	vand.u32 $0x7, v11;
	v13 =	vadd.s32 v14, v13  }
0xde: {  	v11 =	vor.u32 v11, v13;
	_ =	sdelay $0x4  }
0xdf: {  	v11 =	vld.idx.msk [tilespmem:v11+s28+$0x0], $0xffff;
	_ =	sdelay $0x2  }
.Ltmp8:
0xe0: {  	(pc) =	sbr.rel @p0 .LBB2_18-.Ltmp8, $3  }
0xe1: {  	_ =	sdelay $0x1  }
0xe2: {  	s11 =	sadd.s32 $0x10, s11;
	[tilespmem:v12+s29+$0x0] =	vst.idx.msk $0xffff, v11  }
0xe3: {  	s12 =	sadd.s32 $0x10, s12;
	v11 =	vld [tilespmem:s11+$0x0]  }
0xe4: {  	_ =	sdelay $0x2  }
0xe5: {  	v12 =	vor.u32 s10, v8  }
0xe6: {  	v14 =	vshll.u32 v12, $0x3;
	v13 =	vand.u32 $0xFFFFFFF8, v11  }
0xe7: {  	v11 =	vand.u32 $0x7, v11;
	v13 =	vadd.s32 v14, v13  }
0xe8: {  	v11 =	vor.u32 v11, v13;
	_ =	sdelay $0x4  }
0xe9: {  	v11 =	vld.idx.msk [tilespmem:v11+s28+$0x0], $0xffff;
	_ =	sdelay $0x4  }
0xea: {  	s10 =	simm.s32 $0x0;
	s11 =	simm.s32 $0xB400;
	[tilespmem:v12+s29+$0x0] =	vst.idx.msk $0xffff, v11  }
0xeb: {  	[hbm4b:s21+s10] =	stream.linear.scatter [tilespmem:s11], [sflag:$0xB], $0x200, $0x38;
	[tilespmem:$0xBA00] =	vst v63  }
0xec: {  	_ =	swait.ge [sflag:s6], $0x1000  }
0xed: {  	[sflag:s6] =	ssyncset.done $0x0  }
0xee: {  	s11 =	simm.s32 $0x400;
	[sflag:s6] =	ssyncadd.s32 $0xFFFFF000  }
0xef: {  	s12 =	simm.s32 $0x10;
	v11 =	vld [tilespmem:s11+$0x0]  }
.LBB2_20:
0xf0: {  	p0 =	sne.s32 s12, $0x1F0;
	_ =	sdelay $0x2  }
0xf1: {  	v12 =	vor.u32 s10, v9;
	s10 =	smov.u32 s12  }
0xf2: {  	v14 =	vshll.u32 v12, $0x3;
	v13 =	vand.u32 $0xFFFFFFF8, v11  }
0xf3: {  	v11 =	vand.u32 $0x7, v11;
	v13 =	vadd.s32 v14, v13  }
0xf4: {  	v11 =	vor.u32 v11, v13;
	_ =	sdelay $0x4  }
0xf5: {  	v11 =	vld.idx.msk [tilespmem:v11+s28+$0x0], $0xffff;
	_ =	sdelay $0x2  }
.Ltmp9:
0xf6: {  	(pc) =	sbr.rel @p0 .LBB2_20-.Ltmp9, $3  }
0xf7: {  	_ =	sdelay $0x1  }
0xf8: {  	s11 =	sadd.s32 $0x10, s11;
	[tilespmem:v12+s29+$0x0] =	vst.idx.msk $0xffff, v11  }
0xf9: {  	s12 =	sadd.s32 $0x10, s12;
	v11 =	vld [tilespmem:s11+$0x0]  }
0xfa: {  	_ =	sdelay $0x2  }
0xfb: {  	v12 =	vor.u32 s10, v9  }
0xfc: {  	v14 =	vshll.u32 v12, $0x3;
	v13 =	vand.u32 $0xFFFFFFF8, v11  }
0xfd: {  	v11 =	vand.u32 $0x7, v11;
	v13 =	vadd.s32 v14, v13  }
0xfe: {  	v11 =	vor.u32 v11, v13;
	_ =	sdelay $0x4  }
0xff: {  	v11 =	vld.idx.msk [tilespmem:v11+s28+$0x0], $0xffff;
	_ =	sdelay $0x4  }
0x100: {  	s10 =	simm.s32 $0x0;
	s11 =	simm.s32 $0xB600;
	[tilespmem:v12+s29+$0x0] =	vst.idx.msk $0xffff, v11  }
0x101: {  	[hbm4b:s22+s10] =	stream.linear.scatter [tilespmem:s11], [sflag:$0xB], $0x200, $0x38;
	[tilespmem:$0xBA00] =	vst v63  }
0x102: {  	_ =	swait.ge [sflag:s7], $0x1000  }
0x103: {  	[sflag:s7] =	ssyncset.done $0x0  }
0x104: {  	s11 =	simm.s32 $0x400;
	[sflag:s7] =	ssyncadd.s32 $0xFFFFF000  }
0x105: {  	s12 =	simm.s32 $0x10;
	v11 =	vld [tilespmem:s11+$0x0]  }
.LBB2_22:
0x106: {  	p0 =	sne.s32 s12, $0x1F0;
	_ =	sdelay $0x2  }
0x107: {  	v12 =	vor.u32 s10, v10;
	s10 =	smov.u32 s12  }
0x108: {  	v14 =	vshll.u32 v12, $0x3;
	v13 =	vand.u32 $0xFFFFFFF8, v11  }
0x109: {  	v11 =	vand.u32 $0x7, v11;
	v13 =	vadd.s32 v14, v13  }
0x10a: {  	v11 =	vor.u32 v11, v13;
	_ =	sdelay $0x4  }
0x10b: {  	v11 =	vld.idx.msk [tilespmem:v11+s28+$0x0], $0xffff;
	_ =	sdelay $0x2  }
.Ltmp10:
0x10c: {  	(pc) =	sbr.rel @p0 .LBB2_22-.Ltmp10, $3  }
0x10d: {  	_ =	sdelay $0x1  }
0x10e: {  	s11 =	sadd.s32 $0x10, s11;
	[tilespmem:v12+s29+$0x0] =	vst.idx.msk $0xffff, v11  }
0x10f: {  	s12 =	sadd.s32 $0x10, s12;
	v11 =	vld [tilespmem:s11+$0x0]  }
0x110: {  	_ =	sdelay $0x2  }
0x111: {  	v12 =	vor.u32 s10, v10  }
0x112: {  	v14 =	vshll.u32 v12, $0x3;
	v13 =	vand.u32 $0xFFFFFFF8, v11  }
0x113: {  	v11 =	vand.u32 $0x7, v11;
	v13 =	vadd.s32 v14, v13  }
0x114: {  	v11 =	vor.u32 v11, v13;
	_ =	sdelay $0x4  }
0x115: {  	v11 =	vld.idx.msk [tilespmem:v11+s28+$0x0], $0xffff;
	_ =	sdelay $0x4  }
0x116: {  	s10 =	simm.s32 $0x0;
	s11 =	simm.s32 $0xB800;
	[tilespmem:v12+s29+$0x0] =	vst.idx.msk $0xffff, v11  }
0x117: {  	[hbm4b:s23+s10] =	stream.linear.scatter [tilespmem:s11], [sflag:$0xB], $0x200, $0x38;
	[tilespmem:$0xBA00] =	vst v63  }
0x118: {  	_ =	swait.ge [sflag:s8], $0x200  }
0x119: {  	[sflag:s8] =	ssyncset.done $0x0  }
0x11a: {  	[sflag:s8] =	ssyncadd.s32 $0xFFFFFE00  }
0x11b: {  	_ =	swait.ge [sflag:s8], $0x200  }
0x11c: {  	[sflag:s8] =	ssyncset.done $0x0  }
0x11d: {  	[sflag:s8] =	ssyncadd.s32 $0xFFFFFE00  }
0x11e: {  	_ =	swait.ge [sflag:s8], $0x200  }
0x11f: {  	[sflag:s8] =	ssyncset.done $0x0  }
0x120: {  	[sflag:s8] =	ssyncadd.s32 $0xFFFFFE00  }
0x121: {  	_ =	swait.ge [sflag:s8], $0x200  }
0x122: {  	[sflag:s8] =	ssyncset.done $0x0  }
0x123: {  	[sflag:s8] =	ssyncadd.s32 $0xFFFFFE00  }
0x124: {  	_ =	swait.ge [sflag:s8], $0x200  }
0x125: {  	[sflag:s8] =	ssyncset.done $0x0  }
0x126: {  	[sflag:s8] =	ssyncadd.s32 $0xFFFFFE00  }
0x127: {  	_ =	swait.ge [sflag:s8], $0x200  }
0x128: {  	[sflag:s8] =	ssyncset.done $0x0  }
0x129: {  	[sflag:s8] =	ssyncadd.s32 $0xFFFFFE00  }
0x12a: {  	_ =	swait.ge [sflag:s8], $0x200  }
0x12b: {  	[sflag:s8] =	ssyncset.done $0x0  }
0x12c: {  	[sflag:s8] =	ssyncadd.s32 $0xFFFFFE00  }
0x12d: {  	_ =	swait.ge [sflag:s8], $0x200  }
0x12e: {  	[sflag:s8] =	ssyncset.done $0x0  }
0x12f: {  	s9 =	sadd.s32 $0x1, s9;
	[sflag:s8] =	ssyncadd.s32 $0xFFFFFE00  }
0x130: {  	p0 =	sne.s32 s9, s24;
	_ =	swait.ge [sflag:s8], $0x200  }
.Ltmp11:
0x131: {  	[sflag:s8] =	ssyncset.done $0x0;
	(pc) =	sbr.rel @p0 .LBB2_1-.Ltmp11, $4  }
0x132: {  	[sflag:s8] =	ssyncadd.s32 $0xFFFFFE00  }
0x133: {  	_ =	swait.ge [sflag:s8], $0x200  }
0x134: {  	[sflag:s8] =	ssyncset.done $0x0  }
0x135: {  	[sflag:s8] =	ssyncadd.s32 $0xFFFFFE00  }
0x136: {  	_ =	sfence.sel $0x180000  }
0x137: {  	[bflag:$0x0] =	sbarrier.arrive $0xFFFF  }
0x138: {  	_ =	strace $0x90000047  }
0x139: {  	s0 =	stileid.u32;
	[bflag:$0x2] =	sbarrier.arrive $0xFFFF  }
0x13a: {  	p0 =	sne.s32 s0, $0x0;
	s0 =	rddreg [dreg:$0x2]  }
0x13b: {  	s0 =	sadd.s32 @!p0 $0x100000, s0  }
0x13c: {  	[sflag:s0] =	ssyncadd.tile.s32 @!p0 $0x1;
	_ =	shalt  }
.Lfunc_end2:
_tile_overlayer_lowered:
.L_overlay_start_2:
0x13d: {  	(tag) =	ssettag $0x2  }
0x13e: {  	s0 =	rddreg [dreg:$0x0];
	s2 =	stileid.u32  }
0x13f: {  	s1 =	rddreg [dreg:$0x1];
	p0 =	sne.s32 s2, $0x0  }
0x140: {  	s3 =	rddreg [dreg:$0x2];
	[bflag:$0x3] =	sbarrier.arrive $0xFFFF;
	s2 =	simm.s32 @!p0 $0x1C0C  }
0x141: {  	[timem:s3], [sflag:s2] =	dma.local @!p0 [hbm:s0], s1  }
0x142: {  	s0 =	simm.s32 @!p0 $0xC  }
0x143: {  	_ =	swait.ge @!p0 [sflag:s0], s1  }
0x144: {  	s1 =	ssub.s32 @!p0 $0x0, s1;
	[sflag:s0] =	ssyncset.done @!p0 $0x0  }
0x145: {  	[sflag:s0] =	ssyncadd.s32 @!p0 s1  }
0x146: {  	[bflag:$0x3] =	sbarrier.arrive $0xFFFF  }
0x147: {  	_ =	shalt  }

</sc_bundles>
